<compile_context>
chip_gen: v7x
topology: tpu7x:2x2x1
jax: 0.10.2.dev20260603
libtpu: 0.0.44.dev20260713+nightly
codegen_flags: <defaults>
</compile_context>

<pallas_src>
import functools

import jax
import jax.numpy as jnp
from jax import lax
from jax.experimental import pallas as pl
from jax.experimental.pallas import tpu as pltpu
from jax.experimental.pallas import tpu_sc as plsc

N = 10000
E = 320000
D = 128
P = 10240
ROWS = P // 128
NC = 2
NS = 16
NW = NC * NS
CW = 128
TOTCH = 2560
BROWS = 40
CH_FAST = 120
CH_SLOW = 40
NB_FAST = CH_FAST // BROWS
NB_SLOW = CH_SLOW // BROWS
FAST_CORE = 0
TPR = P // NS

_mesh = plsc.VectorSubcoreMesh(core_axis_name="c", subcore_axis_name="s")
_sc_params = pltpu.CompilerParams(needs_layout_passes=False)



@functools.partial(
    pl.kernel,
    out_type=jax.ShapeDtypeStruct((NW, P), jnp.float32),
    mesh=_mesh,
    scratch_types=[
        pltpu.VMEM((CH_FAST, CW), jnp.int32),
        pltpu.VMEM((P,), jnp.float32),
    ],
    compiler_params=_sc_params,
)
def _count_kernel(dst_hbm, out_hbm, dst_v, cnt_v):
  c = lax.axis_index("c")
  s = lax.axis_index("s")
  wid = s * NC + c
  nch = jnp.where(c == FAST_CORE, CH_FAST, CH_SLOW)
  pltpu.sync_copy(dst_hbm.at[wid], dst_v)

  zeros16 = jnp.zeros((16,), jnp.float32)

  def _zero(i, carry):
    cnt_v[pl.ds(i * 16, 16)] = zeros16
    return carry

  lax.fori_loop(0, P // 16, _zero, 0)

  ones16 = jnp.ones((16,), jnp.float32)

  def _count(i, carry):
    for t in range(CW // 16):
      idx = dst_v[i, pl.ds(t * 16, 16)]
      plsc.addupdate_scatter(cnt_v, [idx], ones16)
    return carry

  lax.fori_loop(0, nch, _count, 0)
  pltpu.sync_copy(cnt_v, out_hbm.at[wid])


@functools.partial(
    pl.kernel,
    out_type=jax.ShapeDtypeStruct((NC, P, 128), jnp.float32),
    mesh=_mesh,
    scratch_types=[
        pltpu.VMEM((BROWS, CW), jnp.int32),
        pltpu.VMEM((BROWS, CW), jnp.int32),
        pltpu.VMEM((CW, 128), jnp.float32),
        pltpu.VMEM((CW, 128), jnp.float32),
        pltpu.VMEM_SHARED((P, 128), jnp.float32),
        pltpu.SemaphoreType.DMA,
        pltpu.SemaphoreType.DMA,
    ],
    compiler_params=_sc_params,
)
def _edge_kernel(g_hbm, src_hbm, dst_hbm, z_hbm, out_hbm,
                 src_v, dst_v, rows0_v, rows1_v, acc, sem0, sem1):
  c = lax.axis_index("c")
  s = lax.axis_index("s")
  wid = s * NC + c
  pltpu.sync_copy(z_hbm, acc.at[pl.ds(s * TPR, TPR)])
  plsc.subcore_barrier()

  nblk = jnp.where(c == FAST_CORE, NB_FAST, NB_SLOW)

  def _block(blk, bcarry):
    pltpu.sync_copy(src_hbm.at[wid, pl.ds(blk * BROWS, BROWS)], src_v)
    pltpu.sync_copy(dst_hbm.at[wid, pl.ds(blk * BROWS, BROWS)], dst_v)
    pltpu.async_copy(g_hbm.at[src_v.at[0]], rows0_v, sem0)

    def _body(i, carry):
      j0 = 2 * i
      pltpu.async_copy(g_hbm.at[src_v.at[j0 + 1]], rows1_v, sem1)
      pltpu.make_async_copy(g_hbm.at[src_v.at[j0]], rows0_v, sem0).wait()
      pltpu.sync_copy(rows0_v, acc.at[dst_v.at[j0]], add=True)

      @pl.when(i < BROWS // 2 - 1)
      def _():
        pltpu.async_copy(g_hbm.at[src_v.at[j0 + 2]], rows0_v, sem0)

      pltpu.make_async_copy(g_hbm.at[src_v.at[j0 + 1]], rows1_v, sem1).wait()
      pltpu.sync_copy(rows1_v, acc.at[dst_v.at[j0 + 1]], add=True)
      return carry

    lax.fori_loop(0, BROWS // 2, _body, 0)
    return bcarry

  lax.fori_loop(0, nblk, _block, 0)
  plsc.subcore_barrier()
  pltpu.sync_copy(acc.at[pl.ds(s * TPR, TPR)],
                  out_hbm.at[c, pl.ds(s * TPR, TPR)])



_ONES32 = None


def _inv_from_counts(cp):
  ones = jnp.ones((NW, 1), jnp.float32)
  tot = lax.dot_general(cp, ones, (((0,), (0,)), ((), ())),
                        preferred_element_type=jnp.float32)
  return lax.rsqrt(tot + 1.0)


def _layer1_body(x_ref, w_ref, b_ref, cp_ref, o_ref):
  inv = _inv_from_counts(cp_ref[...])
  hw = jnp.dot(x_ref[...], w_ref[...], preferred_element_type=jnp.float32)
  o_ref[...] = (hw + b_ref[...]) * inv


def _layer2_body(p0_ref, p1_ref, g_ref, cp_ref, w_ref, b_ref, o_ref):
  inv = _inv_from_counts(cp_ref[...])
  h = jax.nn.relu(inv * (p0_ref[...] + p1_ref[...] + g_ref[...]))
  hw = jnp.dot(h, w_ref[...], preferred_element_type=jnp.float32)
  o_ref[...] = (hw + b_ref[...]) * inv


def _ff_body(p0_ref, p1_ref, g_ref, cp_ref, wf1_ref, bf1_ref, wf2_ref, bf2_ref,
             wf3_ref, bf3_ref, ws_ref, bs_ref, o_ref):
  inv = _inv_from_counts(cp_ref[...])
  hx = inv * (p0_ref[...] + p1_ref[...] + g_ref[...])
  h = jax.nn.relu(jnp.dot(hx, wf1_ref[...],
                          preferred_element_type=jnp.float32) + bf1_ref[...])
  h = jax.nn.relu(jnp.dot(h, wf2_ref[...],
                          preferred_element_type=jnp.float32) + bf2_ref[...])
  h = jax.nn.relu(jnp.dot(h, wf3_ref[...],
                          preferred_element_type=jnp.float32) + bf3_ref[...])
  o_ref[...] = h + jnp.dot(hx, ws_ref[...],
                           preferred_element_type=jnp.float32) + bs_ref[...]


_BLK = 512
_GRID = P // _BLK

_node_spec = pl.BlockSpec((_BLK, 128), lambda i: (i, 0))
_w_spec = pl.BlockSpec((128, 128), lambda i: (0, 0))
_b_spec = pl.BlockSpec((1, 128), lambda i: (0, 0))
_cp_spec = pl.BlockSpec((NW, _BLK), lambda i: (0, i))


def _tc_call(body, n_in):
  return pl.pallas_call(
      body,
      grid=(_GRID,),
      in_specs=n_in,
      out_specs=_node_spec,
      out_shape=jax.ShapeDtypeStruct((P, 128), jnp.float32),
  )



def kernel(x, edge_index, W1, b1, W2, b2, Wf1, bf1, Wf2, bf2, Wf3, bf3, Ws, bs):
  src = edge_index[0]
  dst = edge_index[1]
  pad = TOTCH * CW - E

  def _edge_layout(v, fill):
    flat = jnp.concatenate([v, jnp.full((pad,), fill, jnp.int32)]) \
        .reshape(NS, CH_FAST + CH_SLOW, CW)
    fast = flat[:, :CH_FAST]
    slow = jnp.concatenate(
        [flat[:, CH_FAST:],
         jnp.zeros((NS, CH_FAST - CH_SLOW, CW), jnp.int32)], axis=1)
    pair = (fast, slow) if FAST_CORE == 0 else (slow, fast)
    return jnp.stack(pair, axis=1).reshape(NW, CH_FAST, CW)

  src_p = _edge_layout(src, 0)
  dst_p = _edge_layout(dst, N)
  x_p = jnp.concatenate([x, jnp.zeros((P - N, D), jnp.float32)], axis=0)
  zeros_tile = jnp.zeros((TPR, 128), jnp.float32)

  cp = _count_kernel(dst_p)

  b1r = b1.reshape(1, 128)
  b2r = b2.reshape(1, 128)

  g1 = _tc_call(_layer1_body,
                [_node_spec, _w_spec, _b_spec, _cp_spec])(x_p, W1, b1r, cp)
  p1 = _edge_kernel(g1, src_p, dst_p, zeros_tile)
  g2 = _tc_call(_layer2_body,
                [_node_spec, _node_spec, _node_spec, _cp_spec,
                 _w_spec, _b_spec])(p1[0], p1[1], g1, cp, W2, b2r)
  p2 = _edge_kernel(g2, src_p, dst_p, zeros_tile)
  out = _tc_call(_ff_body,
                 [_node_spec, _node_spec, _node_spec, _cp_spec,
                  _w_spec, _b_spec, _w_spec, _b_spec,
                  _w_spec, _b_spec, _w_spec, _b_spec])(
      p2[0], p2[1], g2, cp,
      Wf1, bf1.reshape(1, 128), Wf2, bf2.reshape(1, 128),
      Wf3, bf3.reshape(1, 128), Ws, bs.reshape(1, 128))
  return out[:N]

# --- scband reference (transcript-rebuilt; emitter-appended) ---
"""Pipeline reference for scband-encoder-5480378270324 (READ-ONLY COPY).

The authoritative reference and input builder live on the scoring server;
editing this copy changes nothing except your own understanding.
"""

import jax, jax.numpy as jnp
import numpy as np

N = 10000
E = 320000
D = 128


def _xavier(key, fan_in, fan_out):
    std = float(np.sqrt(2.0 / (fan_in + fan_out)))
    return jax.random.normal(key, (fan_in, fan_out), dtype=jnp.float32) * std


def setup_inputs(seed: int = 0):
    key = jax.random.key(seed)
    ks = jax.random.split(key, 16)
    x = jax.random.normal(ks[0], (N, D), dtype=jnp.float32)
    edge_index = jax.random.randint(ks[1], (2, E), 0, N, dtype=jnp.int32)
    # GCN layers per dimensions [128, 128, 128]: layer1 (relu), layer2 (identity)
    W1 = _xavier(ks[2], D, D); b1 = jnp.zeros((D,), dtype=jnp.float32)
    W2 = _xavier(ks[3], D, D); b2 = jnp.zeros((D,), dtype=jnp.float32)
    # FF local_d: 3-layer MLP block + linear shortcut (output_dim -> output_dim)
    Wf1 = _xavier(ks[4], D, D); bf1 = jnp.zeros((D,), dtype=jnp.float32)
    Wf2 = _xavier(ks[5], D, D); bf2 = jnp.zeros((D,), dtype=jnp.float32)
    Wf3 = _xavier(ks[6], D, D); bf3 = jnp.zeros((D,), dtype=jnp.float32)
    Ws = _xavier(ks[7], D, D); bs = jnp.zeros((D,), dtype=jnp.float32)
    return {"x": x, "edge_index": edge_index, "W1": W1, "b1": b1, "W2": W2, "b2": b2,
            "Wf1": Wf1, "bf1": bf1, "Wf2": Wf2, "bf2": bf2, "Wf3": Wf3, "bf3": bf3,
            "Ws": Ws, "bs": bs}


def reference(x, edge_index, W1, b1, W2, b2, Wf1, bf1, Wf2, bf2, Wf3, bf3, Ws, bs):
    src = edge_index[0]
    dst = edge_index[1]
    # symmetric GCN normalization with self loops: A_hat = D^-1/2 (A + I) D^-1/2
    deg = jnp.bincount(dst, length=N).astype(jnp.float32) + 1.0
    inv_sqrt = 1.0 / jnp.sqrt(deg)

    def gcn_layer(h, W, b, act):
        hw = h @ W + b
        coeff = (inv_sqrt[src] * inv_sqrt[dst])[:, None]
        msg = jnp.take(hw, src, axis=0) * coeff
        agg = jax.ops.segment_sum(msg, dst, num_segments=N)
        agg = agg + hw * (inv_sqrt * inv_sqrt)[:, None]
        return act(agg)

    hx = gcn_layer(x, W1, b1, jax.nn.relu)
    hx = gcn_layer(hx, W2, b2, lambda t: t)
    # typ == 'nodes' path -> local_d (FF module: MLP block + linear shortcut)
    h = jax.nn.relu(hx @ Wf1 + bf1)
    h = jax.nn.relu(h @ Wf2 + bf2)
    h = jax.nn.relu(h @ Wf3 + bf3)
    out = h + (hx @ Ws + bs)
    return out

if __name__ == "__main__":
    import jax
    _d = setup_inputs()
    print(jax.jit(kernel)(*tuple(_d.values())))

</pallas_src>

<mosaic_0001>
#map = affine_map<(d0, d1) -> (0, 0)>
#map1 = affine_map<(d0, d1) -> (0, 0, 0)>
module attributes {stable_mosaic.version = 14 : i64} {
  func.func @_edge_kernel(%arg0: i32, %arg1: i32, %arg2: memref<10240x128xf32, #tpu.memory_space<hbm>>, %arg3: memref<32x120x128xi32, #tpu.memory_space<hbm>>, %arg4: memref<32x120x128xi32, #tpu.memory_space<hbm>>, %arg5: memref<640x128xf32, #tpu.memory_space<hbm>>, %arg6: memref<2x10240x128xf32, #tpu.memory_space<hbm>>, %arg7: memref<40x128xi32, #tpu.memory_space<vmem>>, %arg8: memref<40x128xi32, #tpu.memory_space<vmem>>, %arg9: memref<128x128xf32, #tpu.memory_space<vmem>>, %arg10: memref<128x128xf32, #tpu.memory_space<vmem>>, %arg11: memref<10240x128xf32, #tpu.memory_space<vmem_shared>>, %arg12: memref<!tpu.dma_semaphore, #tpu.memory_space<semaphore_mem>>, %arg13: memref<!tpu.dma_semaphore, #tpu.memory_space<semaphore_mem>>) attributes {dimension_semantics = [#tpu.dimension_semantics<core_parallel>, #tpu.dimension_semantics<subcore_parallel>], iteration_bounds = array<i64: 2, 16>, scalar_prefetch = 0 : i64, scratch_operands = 7 : i64, tpu.core_type = #tpu.core_type<sc_vector_subcore>, window_params = [{transform_indices = #map}, {transform_indices = #map1}, {transform_indices = #map1}, {transform_indices = #map}, {transform_indices = #map1}]} {
    %mul3A = arith.constant 2 : i32
    %mul3A_0 = arith.muli %arg1, %mul3A : i32
    %add3A = arith.addi %mul3A_0, %arg0 : i32
    %mul3A_1 = arith.constant 640 : i32
    %mul3A_2 = arith.muli %arg1, %mul3A_1 : i32
    "tpu.region"() ({
      %run_scoped3A = tpu.sem_alloc : memref<!tpu.dma_semaphore, #tpu.memory_space<semaphore_mem>>
      %dma_start3A = arith.constant 0 : i32
      %dma_start3A_19 = tpu.memref_slice %arg11[%mul3A_2, %dma_start3A] : memref<10240x128xf32, #tpu.memory_space<vmem_shared>> -> memref<640x128xf32, #tpu.memory_space<vmem_shared>>
      tpu.enqueue_dma source(%arg5 : memref<640x128xf32, #tpu.memory_space<hbm>>) target(%dma_start3A_19 : memref<640x128xf32, #tpu.memory_space<vmem_shared>>) target_semaphore(%run_scoped3A : memref<!tpu.dma_semaphore, #tpu.memory_space<semaphore_mem>>)
      %dma_wait3A = arith.constant 0 : i32
      %dma_wait3A_20 = tpu.memref_slice %arg11[%mul3A_2, %dma_wait3A] : memref<10240x128xf32, #tpu.memory_space<vmem_shared>> -> memref<640x128xf32, #tpu.memory_space<vmem_shared>>
      tpu.wait_dma2 semaphore(%run_scoped3A : memref<!tpu.dma_semaphore, #tpu.memory_space<semaphore_mem>>) src(%arg5 : memref<640x128xf32, #tpu.memory_space<hbm>>) dst(%dma_wait3A_20 : memref<640x128xf32, #tpu.memory_space<vmem_shared>>)
      tpu.yield
    }) : () -> ()
    %barrier3A = arith.constant 0 : index
    tpu.barrier barrier_id(%barrier3A)
    %eq3A = arith.constant 0 : i32
    %eq3A_3 = arith.cmpi eq, %arg0, %eq3A : i32
    %jit3A = arith.constant 3 : i32
    %jit3A_4 = arith.constant 1 : i32
    %select_n3A = arith.select %eq3A_3, %jit3A, %jit3A_4 : i32
    %while3A = arith.constant 0 : i32
    %while3A_5 = arith.constant 0 : i32
    %while3A_6 = arith.subi %select_n3A, %while3A_5 : i32
    %while3A_7 = arith.addi %while3A_5, %while3A_6 : i32
    %while3A_8 = arith.constant 1 : i32
    %while3A_9 = arith.divsi %while3A_6, %while3A_8 : i32
    %while3A_10 = arith.muli %while3A_9, %while3A_8 : i32
    %while3A_11 = arith.addi %while3A_5, %while3A_10 : i32
    %while3A_12 = arith.constant 1 : i32
    scf.for %while3A_19 = %while3A_5 to %while3A_11 step %while3A_12  : i32 {
      %mul3A_20 = arith.constant 40 : i32
      %mul3A_21 = arith.muli %while3A_19, %mul3A_20 : i32
      "tpu.region"() ({
        %run_scoped3A = tpu.sem_alloc : memref<!tpu.dma_semaphore, #tpu.memory_space<semaphore_mem>>
        %dma_start3A_35 = arith.constant 0 : i32
        %dma_start3A_36 = tpu.memref_slice %arg3[%add3A, %mul3A_21, %dma_start3A_35] : memref<32x120x128xi32, #tpu.memory_space<hbm>> -> memref<1x40x128xi32, #tpu.memory_space<hbm>>
        %dma_start3A_37 = tpu.memref_squeeze %dma_start3A_36 : memref<1x40x128xi32, #tpu.memory_space<hbm>> -> memref<40x128xi32, #tpu.memory_space<hbm>>
        %dma_start3A_38 = arith.constant 0 : i32
        %dma_start3A_39 = tpu.memref_slice %arg3[%add3A, %mul3A_21, %dma_start3A_38] : memref<32x120x128xi32, #tpu.memory_space<hbm>> -> memref<1x40x128xi32, #tpu.memory_space<hbm>>
        %dma_start3A_40 = tpu.memref_squeeze %dma_start3A_39 : memref<1x40x128xi32, #tpu.memory_space<hbm>> -> memref<40x128xi32, #tpu.memory_space<hbm>>
        tpu.enqueue_dma source(%dma_start3A_40 : memref<40x128xi32, #tpu.memory_space<hbm>>) target(%arg7 : memref<40x128xi32, #tpu.memory_space<vmem>>) target_semaphore(%run_scoped3A : memref<!tpu.dma_semaphore, #tpu.memory_space<semaphore_mem>>)
        %dma_wait3A = arith.constant 0 : i32
        %dma_wait3A_41 = tpu.memref_slice %arg3[%add3A, %mul3A_21, %dma_wait3A] : memref<32x120x128xi32, #tpu.memory_space<hbm>> -> memref<1x40x128xi32, #tpu.memory_space<hbm>>
        %dma_wait3A_42 = tpu.memref_squeeze %dma_wait3A_41 : memref<1x40x128xi32, #tpu.memory_space<hbm>> -> memref<40x128xi32, #tpu.memory_space<hbm>>
        %dma_wait3A_43 = arith.constant 0 : i32
        %dma_wait3A_44 = tpu.memref_slice %arg3[%add3A, %mul3A_21, %dma_wait3A_43] : memref<32x120x128xi32, #tpu.memory_space<hbm>> -> memref<1x40x128xi32, #tpu.memory_space<hbm>>
        %dma_wait3A_45 = tpu.memref_squeeze %dma_wait3A_44 : memref<1x40x128xi32, #tpu.memory_space<hbm>> -> memref<40x128xi32, #tpu.memory_space<hbm>>
        tpu.wait_dma2 semaphore(%run_scoped3A : memref<!tpu.dma_semaphore, #tpu.memory_space<semaphore_mem>>) src(%dma_wait3A_45 : memref<40x128xi32, #tpu.memory_space<hbm>>) dst(%arg7 : memref<40x128xi32, #tpu.memory_space<vmem>>)
        tpu.yield
      }) : () -> ()
      %mul3A_22 = arith.constant 40 : i32
      %mul3A_23 = arith.muli %while3A_19, %mul3A_22 : i32
      "tpu.region"() ({
        %run_scoped3A = tpu.sem_alloc : memref<!tpu.dma_semaphore, #tpu.memory_space<semaphore_mem>>
        %dma_start3A_35 = arith.constant 0 : i32
        %dma_start3A_36 = tpu.memref_slice %arg4[%add3A, %mul3A_23, %dma_start3A_35] : memref<32x120x128xi32, #tpu.memory_space<hbm>> -> memref<1x40x128xi32, #tpu.memory_space<hbm>>
        %dma_start3A_37 = tpu.memref_squeeze %dma_start3A_36 : memref<1x40x128xi32, #tpu.memory_space<hbm>> -> memref<40x128xi32, #tpu.memory_space<hbm>>
        %dma_start3A_38 = arith.constant 0 : i32
        %dma_start3A_39 = tpu.memref_slice %arg4[%add3A, %mul3A_23, %dma_start3A_38] : memref<32x120x128xi32, #tpu.memory_space<hbm>> -> memref<1x40x128xi32, #tpu.memory_space<hbm>>
        %dma_start3A_40 = tpu.memref_squeeze %dma_start3A_39 : memref<1x40x128xi32, #tpu.memory_space<hbm>> -> memref<40x128xi32, #tpu.memory_space<hbm>>
        tpu.enqueue_dma source(%dma_start3A_40 : memref<40x128xi32, #tpu.memory_space<hbm>>) target(%arg8 : memref<40x128xi32, #tpu.memory_space<vmem>>) target_semaphore(%run_scoped3A : memref<!tpu.dma_semaphore, #tpu.memory_space<semaphore_mem>>)
        %dma_wait3A = arith.constant 0 : i32
        %dma_wait3A_41 = tpu.memref_slice %arg4[%add3A, %mul3A_23, %dma_wait3A] : memref<32x120x128xi32, #tpu.memory_space<hbm>> -> memref<1x40x128xi32, #tpu.memory_space<hbm>>
        %dma_wait3A_42 = tpu.memref_squeeze %dma_wait3A_41 : memref<1x40x128xi32, #tpu.memory_space<hbm>> -> memref<40x128xi32, #tpu.memory_space<hbm>>
        %dma_wait3A_43 = arith.constant 0 : i32
        %dma_wait3A_44 = tpu.memref_slice %arg4[%add3A, %mul3A_23, %dma_wait3A_43] : memref<32x120x128xi32, #tpu.memory_space<hbm>> -> memref<1x40x128xi32, #tpu.memory_space<hbm>>
        %dma_wait3A_45 = tpu.memref_squeeze %dma_wait3A_44 : memref<1x40x128xi32, #tpu.memory_space<hbm>> -> memref<40x128xi32, #tpu.memory_space<hbm>>
        tpu.wait_dma2 semaphore(%run_scoped3A : memref<!tpu.dma_semaphore, #tpu.memory_space<semaphore_mem>>) src(%dma_wait3A_45 : memref<40x128xi32, #tpu.memory_space<hbm>>) dst(%arg8 : memref<40x128xi32, #tpu.memory_space<vmem>>)
        tpu.yield
      }) : () -> ()
      %dma_start3A = arith.constant 0 : i32
      %dma_start3A_24 = arith.constant 0 : i32
      %dma_start3A_25 = tpu.memref_slice %arg7[%dma_start3A, %dma_start3A_24] : memref<40x128xi32, #tpu.memory_space<vmem>> -> memref<1x128xi32, #tpu.memory_space<vmem>>
      %dma_start3A_26 = tpu.memref_squeeze %dma_start3A_25 : memref<1x128xi32, #tpu.memory_space<vmem>> -> memref<128xi32, #tpu.memory_space<vmem>>
      %dma_start3A_27 = arith.constant 0 : i32
      %dma_start3A_28 = arith.constant 0 : i32
      %dma_start3A_29 = tpu.memref_slice %arg2[%dma_start3A_27, %dma_start3A_28] : memref<10240x128xf32, #tpu.memory_space<hbm>> -> memref<10240x128xf32, #tpu.memory_space<hbm>>
      tpu.enqueue_indirect_dma source(%dma_start3A_29 : memref<10240x128xf32, #tpu.memory_space<hbm>>) target(%arg9 : memref<128x128xf32, #tpu.memory_space<vmem>>) offsets(%dma_start3A_26 : memref<128xi32, #tpu.memory_space<vmem>>) semaphore(%arg12 : memref<!tpu.dma_semaphore, #tpu.memory_space<semaphore_mem>>)
      %scan3A = arith.constant 0 : i32
      %scan3A_30 = arith.constant 0 : i32
      %scan3A_31 = arith.constant 20 : i32
      %scan3A_32 = arith.addi %scan3A_30, %scan3A_31 : i32
      %scan3A_33 = arith.constant 1 : i32
      scf.for %scan3A_35 = %scan3A_30 to %scan3A_32 step %scan3A_33  : i32 {
        %mul3A_36 = arith.constant 2 : i32
        %mul3A_37 = arith.muli %mul3A_36, %scan3A_35 : i32
        %add3A_38 = arith.constant 1 : i32
        %add3A_39 = arith.addi %mul3A_37, %add3A_38 : i32
        %dma_start3A_40 = arith.constant 0 : i32
        %dma_start3A_41 = tpu.memref_slice %arg7[%add3A_39, %dma_start3A_40] : memref<40x128xi32, #tpu.memory_space<vmem>> -> memref<1x128xi32, #tpu.memory_space<vmem>>
        %dma_start3A_42 = tpu.memref_squeeze %dma_start3A_41 : memref<1x128xi32, #tpu.memory_space<vmem>> -> memref<128xi32, #tpu.memory_space<vmem>>
        %dma_start3A_43 = arith.constant 0 : i32
        %dma_start3A_44 = arith.constant 0 : i32
        %dma_start3A_45 = tpu.memref_slice %arg2[%dma_start3A_43, %dma_start3A_44] : memref<10240x128xf32, #tpu.memory_space<hbm>> -> memref<10240x128xf32, #tpu.memory_space<hbm>>
        tpu.enqueue_indirect_dma source(%dma_start3A_45 : memref<10240x128xf32, #tpu.memory_space<hbm>>) target(%arg10 : memref<128x128xf32, #tpu.memory_space<vmem>>) offsets(%dma_start3A_42 : memref<128xi32, #tpu.memory_space<vmem>>) semaphore(%arg13 : memref<!tpu.dma_semaphore, #tpu.memory_space<semaphore_mem>>)
        %dma_wait3A = arith.constant 0 : i32
        %dma_wait3A_46 = tpu.memref_slice %arg7[%mul3A_37, %dma_wait3A] : memref<40x128xi32, #tpu.memory_space<vmem>> -> memref<1x128xi32, #tpu.memory_space<vmem>>
        %dma_wait3A_47 = tpu.memref_squeeze %dma_wait3A_46 : memref<1x128xi32, #tpu.memory_space<vmem>> -> memref<128xi32, #tpu.memory_space<vmem>>
        %dma_wait3A_48 = arith.constant 0 : i32
        %dma_wait3A_49 = arith.constant 0 : i32
        %dma_wait3A_50 = tpu.memref_slice %arg2[%dma_wait3A_48, %dma_wait3A_49] : memref<10240x128xf32, #tpu.memory_space<hbm>> -> memref<10240x128xf32, #tpu.memory_space<hbm>>
        tpu.wait_indirect_dma semaphore(%arg12 : memref<!tpu.dma_semaphore, #tpu.memory_space<semaphore_mem>>) src(%dma_wait3A_50 : memref<10240x128xf32, #tpu.memory_space<hbm>>) dst(%arg9 : memref<128x128xf32, #tpu.memory_space<vmem>>)
        "tpu.region"() ({
          %run_scoped3A = tpu.sem_alloc : memref<!tpu.dma_semaphore, #tpu.memory_space<semaphore_mem>>
          %dma_start3A_63 = arith.constant 0 : i32
          %dma_start3A_64 = tpu.memref_slice %arg8[%mul3A_37, %dma_start3A_63] : memref<40x128xi32, #tpu.memory_space<vmem>> -> memref<1x128xi32, #tpu.memory_space<vmem>>
          %dma_start3A_65 = tpu.memref_squeeze %dma_start3A_64 : memref<1x128xi32, #tpu.memory_space<vmem>> -> memref<128xi32, #tpu.memory_space<vmem>>
          %dma_start3A_66 = arith.constant 0 : i32
          %dma_start3A_67 = arith.constant 0 : i32
          %dma_start3A_68 = tpu.memref_slice %arg11[%dma_start3A_66, %dma_start3A_67] : memref<10240x128xf32, #tpu.memory_space<vmem_shared>> -> memref<10240x128xf32, #tpu.memory_space<vmem_shared>>
          tpu.enqueue_indirect_dma source(%arg9 : memref<128x128xf32, #tpu.memory_space<vmem>>) target(%dma_start3A_68 : memref<10240x128xf32, #tpu.memory_space<vmem_shared>>) offsets(%dma_start3A_65 : memref<128xi32, #tpu.memory_space<vmem>>) semaphore(%run_scoped3A : memref<!tpu.dma_semaphore, #tpu.memory_space<semaphore_mem>>) {add = true}
          %dma_wait3A_69 = arith.constant 0 : i32
          %dma_wait3A_70 = tpu.memref_slice %arg8[%mul3A_37, %dma_wait3A_69] : memref<40x128xi32, #tpu.memory_space<vmem>> -> memref<1x128xi32, #tpu.memory_space<vmem>>
          %dma_wait3A_71 = tpu.memref_squeeze %dma_wait3A_70 : memref<1x128xi32, #tpu.memory_space<vmem>> -> memref<128xi32, #tpu.memory_space<vmem>>
          %dma_wait3A_72 = arith.constant 0 : i32
          %dma_wait3A_73 = arith.constant 0 : i32
          %dma_wait3A_74 = tpu.memref_slice %arg11[%dma_wait3A_72, %dma_wait3A_73] : memref<10240x128xf32, #tpu.memory_space<vmem_shared>> -> memref<10240x128xf32, #tpu.memory_space<vmem_shared>>
          tpu.wait_indirect_dma semaphore(%run_scoped3A : memref<!tpu.dma_semaphore, #tpu.memory_space<semaphore_mem>>) src(%arg9 : memref<128x128xf32, #tpu.memory_space<vmem>>) dst(%dma_wait3A_74 : memref<10240x128xf32, #tpu.memory_space<vmem_shared>>)
          tpu.yield
        }) : () -> ()
        %lt3A = arith.constant 19 : i32
        %lt3A_51 = arith.cmpi slt, %scan3A_35, %lt3A : i32
        %convert_element_type3A = arith.extui %lt3A_51 : i1 to i32
        %cond3A = arith.constant 0 : i32
        %cond3A_52 = arith.cmpi ne, %convert_element_type3A, %cond3A : i32
        scf.if %cond3A_52 {
          %add3A_63 = arith.constant 2 : i32
          %add3A_64 = arith.addi %mul3A_37, %add3A_63 : i32
          %dma_start3A_65 = arith.constant 0 : i32
          %dma_start3A_66 = tpu.memref_slice %arg7[%add3A_64, %dma_start3A_65] : memref<40x128xi32, #tpu.memory_space<vmem>> -> memref<1x128xi32, #tpu.memory_space<vmem>>
          %dma_start3A_67 = tpu.memref_squeeze %dma_start3A_66 : memref<1x128xi32, #tpu.memory_space<vmem>> -> memref<128xi32, #tpu.memory_space<vmem>>
          %dma_start3A_68 = arith.constant 0 : i32
          %dma_start3A_69 = arith.constant 0 : i32
          %dma_start3A_70 = tpu.memref_slice %arg2[%dma_start3A_68, %dma_start3A_69] : memref<10240x128xf32, #tpu.memory_space<hbm>> -> memref<10240x128xf32, #tpu.memory_space<hbm>>
          tpu.enqueue_indirect_dma source(%dma_start3A_70 : memref<10240x128xf32, #tpu.memory_space<hbm>>) target(%arg9 : memref<128x128xf32, #tpu.memory_space<vmem>>) offsets(%dma_start3A_67 : memref<128xi32, #tpu.memory_space<vmem>>) semaphore(%arg12 : memref<!tpu.dma_semaphore, #tpu.memory_space<semaphore_mem>>)
        } else {
        }
        %add3A_53 = arith.constant 1 : i32
        %add3A_54 = arith.addi %mul3A_37, %add3A_53 : i32
        %dma_wait3A_55 = arith.constant 0 : i32
        %dma_wait3A_56 = tpu.memref_slice %arg7[%add3A_54, %dma_wait3A_55] : memref<40x128xi32, #tpu.memory_space<vmem>> -> memref<1x128xi32, #tpu.memory_space<vmem>>
        %dma_wait3A_57 = tpu.memref_squeeze %dma_wait3A_56 : memref<1x128xi32, #tpu.memory_space<vmem>> -> memref<128xi32, #tpu.memory_space<vmem>>
        %dma_wait3A_58 = arith.constant 0 : i32
        %dma_wait3A_59 = arith.constant 0 : i32
        %dma_wait3A_60 = tpu.memref_slice %arg2[%dma_wait3A_58, %dma_wait3A_59] : memref<10240x128xf32, #tpu.memory_space<hbm>> -> memref<10240x128xf32, #tpu.memory_space<hbm>>
        tpu.wait_indirect_dma semaphore(%arg13 : memref<!tpu.dma_semaphore, #tpu.memory_space<semaphore_mem>>) src(%dma_wait3A_60 : memref<10240x128xf32, #tpu.memory_space<hbm>>) dst(%arg10 : memref<128x128xf32, #tpu.memory_space<vmem>>)
        %add3A_61 = arith.constant 1 : i32
        %add3A_62 = arith.addi %mul3A_37, %add3A_61 : i32
        "tpu.region"() ({
          %run_scoped3A = tpu.sem_alloc : memref<!tpu.dma_semaphore, #tpu.memory_space<semaphore_mem>>
          %dma_start3A_63 = arith.constant 0 : i32
          %dma_start3A_64 = tpu.memref_slice %arg8[%add3A_62, %dma_start3A_63] : memref<40x128xi32, #tpu.memory_space<vmem>> -> memref<1x128xi32, #tpu.memory_space<vmem>>
          %dma_start3A_65 = tpu.memref_squeeze %dma_start3A_64 : memref<1x128xi32, #tpu.memory_space<vmem>> -> memref<128xi32, #tpu.memory_space<vmem>>
          %dma_start3A_66 = arith.constant 0 : i32
          %dma_start3A_67 = arith.constant 0 : i32
          %dma_start3A_68 = tpu.memref_slice %arg11[%dma_start3A_66, %dma_start3A_67] : memref<10240x128xf32, #tpu.memory_space<vmem_shared>> -> memref<10240x128xf32, #tpu.memory_space<vmem_shared>>
          tpu.enqueue_indirect_dma source(%arg10 : memref<128x128xf32, #tpu.memory_space<vmem>>) target(%dma_start3A_68 : memref<10240x128xf32, #tpu.memory_space<vmem_shared>>) offsets(%dma_start3A_65 : memref<128xi32, #tpu.memory_space<vmem>>) semaphore(%run_scoped3A : memref<!tpu.dma_semaphore, #tpu.memory_space<semaphore_mem>>) {add = true}
          %dma_wait3A_69 = arith.constant 0 : i32
          %dma_wait3A_70 = tpu.memref_slice %arg8[%add3A_62, %dma_wait3A_69] : memref<40x128xi32, #tpu.memory_space<vmem>> -> memref<1x128xi32, #tpu.memory_space<vmem>>
          %dma_wait3A_71 = tpu.memref_squeeze %dma_wait3A_70 : memref<1x128xi32, #tpu.memory_space<vmem>> -> memref<128xi32, #tpu.memory_space<vmem>>
          %dma_wait3A_72 = arith.constant 0 : i32
          %dma_wait3A_73 = arith.constant 0 : i32
          %dma_wait3A_74 = tpu.memref_slice %arg11[%dma_wait3A_72, %dma_wait3A_73] : memref<10240x128xf32, #tpu.memory_space<vmem_shared>> -> memref<10240x128xf32, #tpu.memory_space<vmem_shared>>
          tpu.wait_indirect_dma semaphore(%run_scoped3A : memref<!tpu.dma_semaphore, #tpu.memory_space<semaphore_mem>>) src(%arg10 : memref<128x128xf32, #tpu.memory_space<vmem>>) dst(%dma_wait3A_74 : memref<10240x128xf32, #tpu.memory_space<vmem_shared>>)
          tpu.yield
        }) : () -> ()
      }
      %scan3A_34 = arith.constant 20 : i32
    }
    %while3A_13 = arith.constant 1 : i32
    scf.for %while3A_19 = %while3A_11 to %while3A_7 step %while3A_13  : i32 {
      %mul3A_20 = arith.constant 40 : i32
      %mul3A_21 = arith.muli %while3A_19, %mul3A_20 : i32
      "tpu.region"() ({
        %run_scoped3A = tpu.sem_alloc : memref<!tpu.dma_semaphore, #tpu.memory_space<semaphore_mem>>
        %dma_start3A_35 = arith.constant 0 : i32
        %dma_start3A_36 = tpu.memref_slice %arg3[%add3A, %mul3A_21, %dma_start3A_35] : memref<32x120x128xi32, #tpu.memory_space<hbm>> -> memref<1x40x128xi32, #tpu.memory_space<hbm>>
        %dma_start3A_37 = tpu.memref_squeeze %dma_start3A_36 : memref<1x40x128xi32, #tpu.memory_space<hbm>> -> memref<40x128xi32, #tpu.memory_space<hbm>>
        %dma_start3A_38 = arith.constant 0 : i32
        %dma_start3A_39 = tpu.memref_slice %arg3[%add3A, %mul3A_21, %dma_start3A_38] : memref<32x120x128xi32, #tpu.memory_space<hbm>> -> memref<1x40x128xi32, #tpu.memory_space<hbm>>
        %dma_start3A_40 = tpu.memref_squeeze %dma_start3A_39 : memref<1x40x128xi32, #tpu.memory_space<hbm>> -> memref<40x128xi32, #tpu.memory_space<hbm>>
        tpu.enqueue_dma source(%dma_start3A_40 : memref<40x128xi32, #tpu.memory_space<hbm>>) target(%arg7 : memref<40x128xi32, #tpu.memory_space<vmem>>) target_semaphore(%run_scoped3A : memref<!tpu.dma_semaphore, #tpu.memory_space<semaphore_mem>>)
        %dma_wait3A = arith.constant 0 : i32
        %dma_wait3A_41 = tpu.memref_slice %arg3[%add3A, %mul3A_21, %dma_wait3A] : memref<32x120x128xi32, #tpu.memory_space<hbm>> -> memref<1x40x128xi32, #tpu.memory_space<hbm>>
        %dma_wait3A_42 = tpu.memref_squeeze %dma_wait3A_41 : memref<1x40x128xi32, #tpu.memory_space<hbm>> -> memref<40x128xi32, #tpu.memory_space<hbm>>
        %dma_wait3A_43 = arith.constant 0 : i32
        %dma_wait3A_44 = tpu.memref_slice %arg3[%add3A, %mul3A_21, %dma_wait3A_43] : memref<32x120x128xi32, #tpu.memory_space<hbm>> -> memref<1x40x128xi32, #tpu.memory_space<hbm>>
        %dma_wait3A_45 = tpu.memref_squeeze %dma_wait3A_44 : memref<1x40x128xi32, #tpu.memory_space<hbm>> -> memref<40x128xi32, #tpu.memory_space<hbm>>
        tpu.wait_dma2 semaphore(%run_scoped3A : memref<!tpu.dma_semaphore, #tpu.memory_space<semaphore_mem>>) src(%dma_wait3A_45 : memref<40x128xi32, #tpu.memory_space<hbm>>) dst(%arg7 : memref<40x128xi32, #tpu.memory_space<vmem>>)
        tpu.yield
      }) : () -> ()
      %mul3A_22 = arith.constant 40 : i32
      %mul3A_23 = arith.muli %while3A_19, %mul3A_22 : i32
      "tpu.region"() ({
        %run_scoped3A = tpu.sem_alloc : memref<!tpu.dma_semaphore, #tpu.memory_space<semaphore_mem>>
        %dma_start3A_35 = arith.constant 0 : i32
        %dma_start3A_36 = tpu.memref_slice %arg4[%add3A, %mul3A_23, %dma_start3A_35] : memref<32x120x128xi32, #tpu.memory_space<hbm>> -> memref<1x40x128xi32, #tpu.memory_space<hbm>>
        %dma_start3A_37 = tpu.memref_squeeze %dma_start3A_36 : memref<1x40x128xi32, #tpu.memory_space<hbm>> -> memref<40x128xi32, #tpu.memory_space<hbm>>
        %dma_start3A_38 = arith.constant 0 : i32
        %dma_start3A_39 = tpu.memref_slice %arg4[%add3A, %mul3A_23, %dma_start3A_38] : memref<32x120x128xi32, #tpu.memory_space<hbm>> -> memref<1x40x128xi32, #tpu.memory_space<hbm>>
        %dma_start3A_40 = tpu.memref_squeeze %dma_start3A_39 : memref<1x40x128xi32, #tpu.memory_space<hbm>> -> memref<40x128xi32, #tpu.memory_space<hbm>>
        tpu.enqueue_dma source(%dma_start3A_40 : memref<40x128xi32, #tpu.memory_space<hbm>>) target(%arg8 : memref<40x128xi32, #tpu.memory_space<vmem>>) target_semaphore(%run_scoped3A : memref<!tpu.dma_semaphore, #tpu.memory_space<semaphore_mem>>)
        %dma_wait3A = arith.constant 0 : i32
        %dma_wait3A_41 = tpu.memref_slice %arg4[%add3A, %mul3A_23, %dma_wait3A] : memref<32x120x128xi32, #tpu.memory_space<hbm>> -> memref<1x40x128xi32, #tpu.memory_space<hbm>>
        %dma_wait3A_42 = tpu.memref_squeeze %dma_wait3A_41 : memref<1x40x128xi32, #tpu.memory_space<hbm>> -> memref<40x128xi32, #tpu.memory_space<hbm>>
        %dma_wait3A_43 = arith.constant 0 : i32
        %dma_wait3A_44 = tpu.memref_slice %arg4[%add3A, %mul3A_23, %dma_wait3A_43] : memref<32x120x128xi32, #tpu.memory_space<hbm>> -> memref<1x40x128xi32, #tpu.memory_space<hbm>>
        %dma_wait3A_45 = tpu.memref_squeeze %dma_wait3A_44 : memref<1x40x128xi32, #tpu.memory_space<hbm>> -> memref<40x128xi32, #tpu.memory_space<hbm>>
        tpu.wait_dma2 semaphore(%run_scoped3A : memref<!tpu.dma_semaphore, #tpu.memory_space<semaphore_mem>>) src(%dma_wait3A_45 : memref<40x128xi32, #tpu.memory_space<hbm>>) dst(%arg8 : memref<40x128xi32, #tpu.memory_space<vmem>>)
        tpu.yield
      }) : () -> ()
      %dma_start3A = arith.constant 0 : i32
      %dma_start3A_24 = arith.constant 0 : i32
      %dma_start3A_25 = tpu.memref_slice %arg7[%dma_start3A, %dma_start3A_24] : memref<40x128xi32, #tpu.memory_space<vmem>> -> memref<1x128xi32, #tpu.memory_space<vmem>>
      %dma_start3A_26 = tpu.memref_squeeze %dma_start3A_25 : memref<1x128xi32, #tpu.memory_space<vmem>> -> memref<128xi32, #tpu.memory_space<vmem>>
      %dma_start3A_27 = arith.constant 0 : i32
      %dma_start3A_28 = arith.constant 0 : i32
      %dma_start3A_29 = tpu.memref_slice %arg2[%dma_start3A_27, %dma_start3A_28] : memref<10240x128xf32, #tpu.memory_space<hbm>> -> memref<10240x128xf32, #tpu.memory_space<hbm>>
      tpu.enqueue_indirect_dma source(%dma_start3A_29 : memref<10240x128xf32, #tpu.memory_space<hbm>>) target(%arg9 : memref<128x128xf32, #tpu.memory_space<vmem>>) offsets(%dma_start3A_26 : memref<128xi32, #tpu.memory_space<vmem>>) semaphore(%arg12 : memref<!tpu.dma_semaphore, #tpu.memory_space<semaphore_mem>>)
      %scan3A = arith.constant 0 : i32
      %scan3A_30 = arith.constant 0 : i32
      %scan3A_31 = arith.constant 20 : i32
      %scan3A_32 = arith.addi %scan3A_30, %scan3A_31 : i32
      %scan3A_33 = arith.constant 1 : i32
      scf.for %scan3A_35 = %scan3A_30 to %scan3A_32 step %scan3A_33  : i32 {
        %mul3A_36 = arith.constant 2 : i32
        %mul3A_37 = arith.muli %mul3A_36, %scan3A_35 : i32
        %add3A_38 = arith.constant 1 : i32
        %add3A_39 = arith.addi %mul3A_37, %add3A_38 : i32
        %dma_start3A_40 = arith.constant 0 : i32
        %dma_start3A_41 = tpu.memref_slice %arg7[%add3A_39, %dma_start3A_40] : memref<40x128xi32, #tpu.memory_space<vmem>> -> memref<1x128xi32, #tpu.memory_space<vmem>>
        %dma_start3A_42 = tpu.memref_squeeze %dma_start3A_41 : memref<1x128xi32, #tpu.memory_space<vmem>> -> memref<128xi32, #tpu.memory_space<vmem>>
        %dma_start3A_43 = arith.constant 0 : i32
        %dma_start3A_44 = arith.constant 0 : i32
        %dma_start3A_45 = tpu.memref_slice %arg2[%dma_start3A_43, %dma_start3A_44] : memref<10240x128xf32, #tpu.memory_space<hbm>> -> memref<10240x128xf32, #tpu.memory_space<hbm>>
        tpu.enqueue_indirect_dma source(%dma_start3A_45 : memref<10240x128xf32, #tpu.memory_space<hbm>>) target(%arg10 : memref<128x128xf32, #tpu.memory_space<vmem>>) offsets(%dma_start3A_42 : memref<128xi32, #tpu.memory_space<vmem>>) semaphore(%arg13 : memref<!tpu.dma_semaphore, #tpu.memory_space<semaphore_mem>>)
        %dma_wait3A = arith.constant 0 : i32
        %dma_wait3A_46 = tpu.memref_slice %arg7[%mul3A_37, %dma_wait3A] : memref<40x128xi32, #tpu.memory_space<vmem>> -> memref<1x128xi32, #tpu.memory_space<vmem>>
        %dma_wait3A_47 = tpu.memref_squeeze %dma_wait3A_46 : memref<1x128xi32, #tpu.memory_space<vmem>> -> memref<128xi32, #tpu.memory_space<vmem>>
        %dma_wait3A_48 = arith.constant 0 : i32
        %dma_wait3A_49 = arith.constant 0 : i32
        %dma_wait3A_50 = tpu.memref_slice %arg2[%dma_wait3A_48, %dma_wait3A_49] : memref<10240x128xf32, #tpu.memory_space<hbm>> -> memref<10240x128xf32, #tpu.memory_space<hbm>>
        tpu.wait_indirect_dma semaphore(%arg12 : memref<!tpu.dma_semaphore, #tpu.memory_space<semaphore_mem>>) src(%dma_wait3A_50 : memref<10240x128xf32, #tpu.memory_space<hbm>>) dst(%arg9 : memref<128x128xf32, #tpu.memory_space<vmem>>)
        "tpu.region"() ({
          %run_scoped3A = tpu.sem_alloc : memref<!tpu.dma_semaphore, #tpu.memory_space<semaphore_mem>>
          %dma_start3A_63 = arith.constant 0 : i32
          %dma_start3A_64 = tpu.memref_slice %arg8[%mul3A_37, %dma_start3A_63] : memref<40x128xi32, #tpu.memory_space<vmem>> -> memref<1x128xi32, #tpu.memory_space<vmem>>
          %dma_start3A_65 = tpu.memref_squeeze %dma_start3A_64 : memref<1x128xi32, #tpu.memory_space<vmem>> -> memref<128xi32, #tpu.memory_space<vmem>>
          %dma_start3A_66 = arith.constant 0 : i32
          %dma_start3A_67 = arith.constant 0 : i32
          %dma_start3A_68 = tpu.memref_slice %arg11[%dma_start3A_66, %dma_start3A_67] : memref<10240x128xf32, #tpu.memory_space<vmem_shared>> -> memref<10240x128xf32, #tpu.memory_space<vmem_shared>>
          tpu.enqueue_indirect_dma source(%arg9 : memref<128x128xf32, #tpu.memory_space<vmem>>) target(%dma_start3A_68 : memref<10240x128xf32, #tpu.memory_space<vmem_shared>>) offsets(%dma_start3A_65 : memref<128xi32, #tpu.memory_space<vmem>>) semaphore(%run_scoped3A : memref<!tpu.dma_semaphore, #tpu.memory_space<semaphore_mem>>) {add = true}
          %dma_wait3A_69 = arith.constant 0 : i32
          %dma_wait3A_70 = tpu.memref_slice %arg8[%mul3A_37, %dma_wait3A_69] : memref<40x128xi32, #tpu.memory_space<vmem>> -> memref<1x128xi32, #tpu.memory_space<vmem>>
          %dma_wait3A_71 = tpu.memref_squeeze %dma_wait3A_70 : memref<1x128xi32, #tpu.memory_space<vmem>> -> memref<128xi32, #tpu.memory_space<vmem>>
          %dma_wait3A_72 = arith.constant 0 : i32
          %dma_wait3A_73 = arith.constant 0 : i32
          %dma_wait3A_74 = tpu.memref_slice %arg11[%dma_wait3A_72, %dma_wait3A_73] : memref<10240x128xf32, #tpu.memory_space<vmem_shared>> -> memref<10240x128xf32, #tpu.memory_space<vmem_shared>>
          tpu.wait_indirect_dma semaphore(%run_scoped3A : memref<!tpu.dma_semaphore, #tpu.memory_space<semaphore_mem>>) src(%arg9 : memref<128x128xf32, #tpu.memory_space<vmem>>) dst(%dma_wait3A_74 : memref<10240x128xf32, #tpu.memory_space<vmem_shared>>)
          tpu.yield
        }) : () -> ()
        %lt3A = arith.constant 19 : i32
        %lt3A_51 = arith.cmpi slt, %scan3A_35, %lt3A : i32
        %convert_element_type3A = arith.extui %lt3A_51 : i1 to i32
        %cond3A = arith.constant 0 : i32
        %cond3A_52 = arith.cmpi ne, %convert_element_type3A, %cond3A : i32
        scf.if %cond3A_52 {
          %add3A_63 = arith.constant 2 : i32
          %add3A_64 = arith.addi %mul3A_37, %add3A_63 : i32
          %dma_start3A_65 = arith.constant 0 : i32
          %dma_start3A_66 = tpu.memref_slice %arg7[%add3A_64, %dma_start3A_65] : memref<40x128xi32, #tpu.memory_space<vmem>> -> memref<1x128xi32, #tpu.memory_space<vmem>>
          %dma_start3A_67 = tpu.memref_squeeze %dma_start3A_66 : memref<1x128xi32, #tpu.memory_space<vmem>> -> memref<128xi32, #tpu.memory_space<vmem>>
          %dma_start3A_68 = arith.constant 0 : i32
          %dma_start3A_69 = arith.constant 0 : i32
          %dma_start3A_70 = tpu.memref_slice %arg2[%dma_start3A_68, %dma_start3A_69] : memref<10240x128xf32, #tpu.memory_space<hbm>> -> memref<10240x128xf32, #tpu.memory_space<hbm>>
          tpu.enqueue_indirect_dma source(%dma_start3A_70 : memref<10240x128xf32, #tpu.memory_space<hbm>>) target(%arg9 : memref<128x128xf32, #tpu.memory_space<vmem>>) offsets(%dma_start3A_67 : memref<128xi32, #tpu.memory_space<vmem>>) semaphore(%arg12 : memref<!tpu.dma_semaphore, #tpu.memory_space<semaphore_mem>>)
        } else {
        }
        %add3A_53 = arith.constant 1 : i32
        %add3A_54 = arith.addi %mul3A_37, %add3A_53 : i32
        %dma_wait3A_55 = arith.constant 0 : i32
        %dma_wait3A_56 = tpu.memref_slice %arg7[%add3A_54, %dma_wait3A_55] : memref<40x128xi32, #tpu.memory_space<vmem>> -> memref<1x128xi32, #tpu.memory_space<vmem>>
        %dma_wait3A_57 = tpu.memref_squeeze %dma_wait3A_56 : memref<1x128xi32, #tpu.memory_space<vmem>> -> memref<128xi32, #tpu.memory_space<vmem>>
        %dma_wait3A_58 = arith.constant 0 : i32
        %dma_wait3A_59 = arith.constant 0 : i32
        %dma_wait3A_60 = tpu.memref_slice %arg2[%dma_wait3A_58, %dma_wait3A_59] : memref<10240x128xf32, #tpu.memory_space<hbm>> -> memref<10240x128xf32, #tpu.memory_space<hbm>>
        tpu.wait_indirect_dma semaphore(%arg13 : memref<!tpu.dma_semaphore, #tpu.memory_space<semaphore_mem>>) src(%dma_wait3A_60 : memref<10240x128xf32, #tpu.memory_space<hbm>>) dst(%arg10 : memref<128x128xf32, #tpu.memory_space<vmem>>)
        %add3A_61 = arith.constant 1 : i32
        %add3A_62 = arith.addi %mul3A_37, %add3A_61 : i32
        "tpu.region"() ({
          %run_scoped3A = tpu.sem_alloc : memref<!tpu.dma_semaphore, #tpu.memory_space<semaphore_mem>>
          %dma_start3A_63 = arith.constant 0 : i32
          %dma_start3A_64 = tpu.memref_slice %arg8[%add3A_62, %dma_start3A_63] : memref<40x128xi32, #tpu.memory_space<vmem>> -> memref<1x128xi32, #tpu.memory_space<vmem>>
          %dma_start3A_65 = tpu.memref_squeeze %dma_start3A_64 : memref<1x128xi32, #tpu.memory_space<vmem>> -> memref<128xi32, #tpu.memory_space<vmem>>
          %dma_start3A_66 = arith.constant 0 : i32
          %dma_start3A_67 = arith.constant 0 : i32
          %dma_start3A_68 = tpu.memref_slice %arg11[%dma_start3A_66, %dma_start3A_67] : memref<10240x128xf32, #tpu.memory_space<vmem_shared>> -> memref<10240x128xf32, #tpu.memory_space<vmem_shared>>
          tpu.enqueue_indirect_dma source(%arg10 : memref<128x128xf32, #tpu.memory_space<vmem>>) target(%dma_start3A_68 : memref<10240x128xf32, #tpu.memory_space<vmem_shared>>) offsets(%dma_start3A_65 : memref<128xi32, #tpu.memory_space<vmem>>) semaphore(%run_scoped3A : memref<!tpu.dma_semaphore, #tpu.memory_space<semaphore_mem>>) {add = true}
          %dma_wait3A_69 = arith.constant 0 : i32
          %dma_wait3A_70 = tpu.memref_slice %arg8[%add3A_62, %dma_wait3A_69] : memref<40x128xi32, #tpu.memory_space<vmem>> -> memref<1x128xi32, #tpu.memory_space<vmem>>
          %dma_wait3A_71 = tpu.memref_squeeze %dma_wait3A_70 : memref<1x128xi32, #tpu.memory_space<vmem>> -> memref<128xi32, #tpu.memory_space<vmem>>
          %dma_wait3A_72 = arith.constant 0 : i32
          %dma_wait3A_73 = arith.constant 0 : i32
          %dma_wait3A_74 = tpu.memref_slice %arg11[%dma_wait3A_72, %dma_wait3A_73] : memref<10240x128xf32, #tpu.memory_space<vmem_shared>> -> memref<10240x128xf32, #tpu.memory_space<vmem_shared>>
          tpu.wait_indirect_dma semaphore(%run_scoped3A : memref<!tpu.dma_semaphore, #tpu.memory_space<semaphore_mem>>) src(%arg10 : memref<128x128xf32, #tpu.memory_space<vmem>>) dst(%dma_wait3A_74 : memref<10240x128xf32, #tpu.memory_space<vmem_shared>>)
          tpu.yield
        }) : () -> ()
      }
      %scan3A_34 = arith.constant 20 : i32
    }
    %barrier3A_14 = arith.constant 0 : index
    tpu.barrier barrier_id(%barrier3A_14)
    %mul3A_15 = arith.constant 640 : i32
    %mul3A_16 = arith.muli %arg1, %mul3A_15 : i32
    %mul3A_17 = arith.constant 640 : i32
    %mul3A_18 = arith.muli %arg1, %mul3A_17 : i32
    "tpu.region"() ({
      %run_scoped3A = tpu.sem_alloc : memref<!tpu.dma_semaphore, #tpu.memory_space<semaphore_mem>>
      %dma_start3A = arith.constant 0 : i32
      %dma_start3A_19 = tpu.memref_slice %arg6[%arg0, %mul3A_18, %dma_start3A] : memref<2x10240x128xf32, #tpu.memory_space<hbm>> -> memref<1x640x128xf32, #tpu.memory_space<hbm>>
      %dma_start3A_20 = tpu.memref_squeeze %dma_start3A_19 : memref<1x640x128xf32, #tpu.memory_space<hbm>> -> memref<640x128xf32, #tpu.memory_space<hbm>>
      %dma_start3A_21 = arith.constant 0 : i32
      %dma_start3A_22 = tpu.memref_slice %arg11[%mul3A_16, %dma_start3A_21] : memref<10240x128xf32, #tpu.memory_space<vmem_shared>> -> memref<640x128xf32, #tpu.memory_space<vmem_shared>>
      tpu.enqueue_dma source(%dma_start3A_22 : memref<640x128xf32, #tpu.memory_space<vmem_shared>>) target(%dma_start3A_20 : memref<640x128xf32, #tpu.memory_space<hbm>>) target_semaphore(%run_scoped3A : memref<!tpu.dma_semaphore, #tpu.memory_space<semaphore_mem>>)
      %dma_wait3A = arith.constant 0 : i32
      %dma_wait3A_23 = tpu.memref_slice %arg6[%arg0, %mul3A_18, %dma_wait3A] : memref<2x10240x128xf32, #tpu.memory_space<hbm>> -> memref<1x640x128xf32, #tpu.memory_space<hbm>>
      %dma_wait3A_24 = tpu.memref_squeeze %dma_wait3A_23 : memref<1x640x128xf32, #tpu.memory_space<hbm>> -> memref<640x128xf32, #tpu.memory_space<hbm>>
      %dma_wait3A_25 = arith.constant 0 : i32
      %dma_wait3A_26 = tpu.memref_slice %arg11[%mul3A_16, %dma_wait3A_25] : memref<10240x128xf32, #tpu.memory_space<vmem_shared>> -> memref<640x128xf32, #tpu.memory_space<vmem_shared>>
      tpu.wait_dma2 semaphore(%run_scoped3A : memref<!tpu.dma_semaphore, #tpu.memory_space<semaphore_mem>>) src(%dma_wait3A_26 : memref<640x128xf32, #tpu.memory_space<vmem_shared>>) dst(%dma_wait3A_24 : memref<640x128xf32, #tpu.memory_space<hbm>>)
      tpu.yield
    }) : () -> ()
    return
  }
}

#map = affine_map<(d0, d1) -> (0, 0, 0)>
#map1 = affine_map<(d0, d1) -> (0, 0)>
module attributes {stable_mosaic.version = 14 : i64} {
  func.func @_count_kernel(%arg0: i32, %arg1: i32, %arg2: memref<32x120x128xi32, #tpu.memory_space<hbm>>, %arg3: memref<32x10240xf32, #tpu.memory_space<hbm>>, %arg4: memref<120x128xi32, #tpu.memory_space<vmem>>, %arg5: memref<10240xf32, #tpu.memory_space<vmem>>) attributes {dimension_semantics = [#tpu.dimension_semantics<core_parallel>, #tpu.dimension_semantics<subcore_parallel>], iteration_bounds = array<i64: 2, 16>, scalar_prefetch = 0 : i64, scratch_operands = 2 : i64, tpu.core_type = #tpu.core_type<sc_vector_subcore>, window_params = [{transform_indices = #map}, {transform_indices = #map1}]} {
    %mul3A = arith.constant 2 : i32
    %mul3A_0 = arith.muli %arg1, %mul3A : i32
    %add3A = arith.addi %mul3A_0, %arg0 : i32
    %eq3A = arith.constant 0 : i32
    %eq3A_1 = arith.cmpi eq, %arg0, %eq3A : i32
    %jit3A = arith.constant 120 : i32
    %jit3A_2 = arith.constant 40 : i32
    %select_n3A = arith.select %eq3A_1, %jit3A, %jit3A_2 : i32
    "tpu.region"() ({
      %run_scoped3A = tpu.sem_alloc : memref<!tpu.dma_semaphore, #tpu.memory_space<semaphore_mem>>
      %dma_start3A = arith.constant 0 : i32
      %dma_start3A_20 = arith.constant 0 : i32
      %dma_start3A_21 = tpu.memref_slice %arg2[%add3A, %dma_start3A, %dma_start3A_20] : memref<32x120x128xi32, #tpu.memory_space<hbm>> -> memref<1x120x128xi32, #tpu.memory_space<hbm>>
      %dma_start3A_22 = tpu.memref_squeeze %dma_start3A_21 : memref<1x120x128xi32, #tpu.memory_space<hbm>> -> memref<120x128xi32, #tpu.memory_space<hbm>>
      %dma_start3A_23 = arith.constant 0 : i32
      %dma_start3A_24 = arith.constant 0 : i32
      %dma_start3A_25 = tpu.memref_slice %arg2[%add3A, %dma_start3A_23, %dma_start3A_24] : memref<32x120x128xi32, #tpu.memory_space<hbm>> -> memref<1x120x128xi32, #tpu.memory_space<hbm>>
      %dma_start3A_26 = tpu.memref_squeeze %dma_start3A_25 : memref<1x120x128xi32, #tpu.memory_space<hbm>> -> memref<120x128xi32, #tpu.memory_space<hbm>>
      tpu.enqueue_dma source(%dma_start3A_26 : memref<120x128xi32, #tpu.memory_space<hbm>>) target(%arg4 : memref<120x128xi32, #tpu.memory_space<vmem>>) target_semaphore(%run_scoped3A : memref<!tpu.dma_semaphore, #tpu.memory_space<semaphore_mem>>)
      %dma_wait3A = arith.constant 0 : i32
      %dma_wait3A_27 = arith.constant 0 : i32
      %dma_wait3A_28 = tpu.memref_slice %arg2[%add3A, %dma_wait3A, %dma_wait3A_27] : memref<32x120x128xi32, #tpu.memory_space<hbm>> -> memref<1x120x128xi32, #tpu.memory_space<hbm>>
      %dma_wait3A_29 = tpu.memref_squeeze %dma_wait3A_28 : memref<1x120x128xi32, #tpu.memory_space<hbm>> -> memref<120x128xi32, #tpu.memory_space<hbm>>
      %dma_wait3A_30 = arith.constant 0 : i32
      %dma_wait3A_31 = arith.constant 0 : i32
      %dma_wait3A_32 = tpu.memref_slice %arg2[%add3A, %dma_wait3A_30, %dma_wait3A_31] : memref<32x120x128xi32, #tpu.memory_space<hbm>> -> memref<1x120x128xi32, #tpu.memory_space<hbm>>
      %dma_wait3A_33 = tpu.memref_squeeze %dma_wait3A_32 : memref<1x120x128xi32, #tpu.memory_space<hbm>> -> memref<120x128xi32, #tpu.memory_space<hbm>>
      tpu.wait_dma2 semaphore(%run_scoped3A : memref<!tpu.dma_semaphore, #tpu.memory_space<semaphore_mem>>) src(%dma_wait3A_33 : memref<120x128xi32, #tpu.memory_space<hbm>>) dst(%arg4 : memref<120x128xi32, #tpu.memory_space<vmem>>)
      tpu.yield
    }) : () -> ()
    %broadcast_in_dim3A = arith.constant 0.000000e+00 : f32
    %broadcast_in_dim3A_3 = vector.broadcast %broadcast_in_dim3A : f32 to vector<16xf32>
    %scan3A = arith.constant 0 : i32
    %scan3A_4 = arith.constant 0 : i32
    %scan3A_5 = arith.constant 640 : i32
    %scan3A_6 = arith.addi %scan3A_4, %scan3A_5 : i32
    %scan3A_7 = arith.constant 1 : i32
    scf.for %scan3A_20 = %scan3A_4 to %scan3A_6 step %scan3A_7  : i32 {
      %mul3A_21 = arith.constant 16 : i32
      %mul3A_22 = arith.muli %scan3A_20, %mul3A_21 : i32
      %swap3A = arith.index_cast %mul3A_22 : i32 to index
      %swap3A_23 = tpu.vector_load %arg5[%swap3A] {strides = array<i32>} : memref<10240xf32, #tpu.memory_space<vmem>>, vector<16xf32>,
      tpu.vector_store %arg5[%swap3A], %broadcast_in_dim3A_3 {strides = array<i32>} : memref<10240xf32, #tpu.memory_space<vmem>>, vector<16xf32>,
    }
    %scan3A_8 = arith.constant 640 : i32
    %broadcast_in_dim3A_9 = arith.constant 1.000000e+00 : f32
    %broadcast_in_dim3A_10 = vector.broadcast %broadcast_in_dim3A_9 : f32 to vector<16xf32>
    %while3A = arith.constant 0 : i32
    %while3A_11 = arith.constant 0 : i32
    %while3A_12 = arith.subi %select_n3A, %while3A_11 : i32
    %while3A_13 = arith.addi %while3A_11, %while3A_12 : i32
    %while3A_14 = arith.constant 1 : i32
    %while3A_15 = arith.divsi %while3A_12, %while3A_14 : i32
    %while3A_16 = arith.muli %while3A_15, %while3A_14 : i32
    %while3A_17 = arith.addi %while3A_11, %while3A_16 : i32
    %while3A_18 = arith.constant 1 : i32
    scf.for %while3A_20 = %while3A_11 to %while3A_17 step %while3A_18  : i32 {
      %get3A = arith.index_cast %while3A_20 : i32 to index
      %get3A_21 = arith.constant 0 : index
      %get3A_22 = tpu.vector_load %arg4[%get3A, %get3A_21] {strides = array<i32>} : memref<120x128xi32, #tpu.memory_space<vmem>>, vector<16xi32>,
      tpu.vector_store_idx %arg5[%get3A_22], %broadcast_in_dim3A_10 {add = true} : memref<10240xf32, #tpu.memory_space<vmem>>[vector<16xi32>], vector<16xf32>,
      %get3A_23 = arith.index_cast %while3A_20 : i32 to index
      %get3A_24 = arith.constant 16 : index
      %get3A_25 = tpu.vector_load %arg4[%get3A_23, %get3A_24] {strides = array<i32>} : memref<120x128xi32, #tpu.memory_space<vmem>>, vector<16xi32>,
      tpu.vector_store_idx %arg5[%get3A_25], %broadcast_in_dim3A_10 {add = true} : memref<10240xf32, #tpu.memory_space<vmem>>[vector<16xi32>], vector<16xf32>,
      %get3A_26 = arith.index_cast %while3A_20 : i32 to index
      %get3A_27 = arith.constant 32 : index
      %get3A_28 = tpu.vector_load %arg4[%get3A_26, %get3A_27] {strides = array<i32>} : memref<120x128xi32, #tpu.memory_space<vmem>>, vector<16xi32>,
      tpu.vector_store_idx %arg5[%get3A_28], %broadcast_in_dim3A_10 {add = true} : memref<10240xf32, #tpu.memory_space<vmem>>[vector<16xi32>], vector<16xf32>,
      %get3A_29 = arith.index_cast %while3A_20 : i32 to index
      %get3A_30 = arith.constant 48 : index
      %get3A_31 = tpu.vector_load %arg4[%get3A_29, %get3A_30] {strides = array<i32>} : memref<120x128xi32, #tpu.memory_space<vmem>>, vector<16xi32>,
      tpu.vector_store_idx %arg5[%get3A_31], %broadcast_in_dim3A_10 {add = true} : memref<10240xf32, #tpu.memory_space<vmem>>[vector<16xi32>], vector<16xf32>,
      %get3A_32 = arith.index_cast %while3A_20 : i32 to index
      %get3A_33 = arith.constant 64 : index
      %get3A_34 = tpu.vector_load %arg4[%get3A_32, %get3A_33] {strides = array<i32>} : memref<120x128xi32, #tpu.memory_space<vmem>>, vector<16xi32>,
      tpu.vector_store_idx %arg5[%get3A_34], %broadcast_in_dim3A_10 {add = true} : memref<10240xf32, #tpu.memory_space<vmem>>[vector<16xi32>], vector<16xf32>,
      %get3A_35 = arith.index_cast %while3A_20 : i32 to index
      %get3A_36 = arith.constant 80 : index
      %get3A_37 = tpu.vector_load %arg4[%get3A_35, %get3A_36] {strides = array<i32>} : memref<120x128xi32, #tpu.memory_space<vmem>>, vector<16xi32>,
      tpu.vector_store_idx %arg5[%get3A_37], %broadcast_in_dim3A_10 {add = true} : memref<10240xf32, #tpu.memory_space<vmem>>[vector<16xi32>], vector<16xf32>,
      %get3A_38 = arith.index_cast %while3A_20 : i32 to index
      %get3A_39 = arith.constant 96 : index
      %get3A_40 = tpu.vector_load %arg4[%get3A_38, %get3A_39] {strides = array<i32>} : memref<120x128xi32, #tpu.memory_space<vmem>>, vector<16xi32>,
      tpu.vector_store_idx %arg5[%get3A_40], %broadcast_in_dim3A_10 {add = true} : memref<10240xf32, #tpu.memory_space<vmem>>[vector<16xi32>], vector<16xf32>,
      %get3A_41 = arith.index_cast %while3A_20 : i32 to index
      %get3A_42 = arith.constant 112 : index
      %get3A_43 = tpu.vector_load %arg4[%get3A_41, %get3A_42] {strides = array<i32>} : memref<120x128xi32, #tpu.memory_space<vmem>>, vector<16xi32>,
      tpu.vector_store_idx %arg5[%get3A_43], %broadcast_in_dim3A_10 {add = true} : memref<10240xf32, #tpu.memory_space<vmem>>[vector<16xi32>], vector<16xf32>,
    }
    %while3A_19 = arith.constant 1 : i32
    scf.for %while3A_20 = %while3A_17 to %while3A_13 step %while3A_19  : i32 {
      %get3A = arith.index_cast %while3A_20 : i32 to index
      %get3A_21 = arith.constant 0 : index
      %get3A_22 = tpu.vector_load %arg4[%get3A, %get3A_21] {strides = array<i32>} : memref<120x128xi32, #tpu.memory_space<vmem>>, vector<16xi32>,
      tpu.vector_store_idx %arg5[%get3A_22], %broadcast_in_dim3A_10 {add = true} : memref<10240xf32, #tpu.memory_space<vmem>>[vector<16xi32>], vector<16xf32>,
      %get3A_23 = arith.index_cast %while3A_20 : i32 to index
      %get3A_24 = arith.constant 16 : index
      %get3A_25 = tpu.vector_load %arg4[%get3A_23, %get3A_24] {strides = array<i32>} : memref<120x128xi32, #tpu.memory_space<vmem>>, vector<16xi32>,
      tpu.vector_store_idx %arg5[%get3A_25], %broadcast_in_dim3A_10 {add = true} : memref<10240xf32, #tpu.memory_space<vmem>>[vector<16xi32>], vector<16xf32>,
      %get3A_26 = arith.index_cast %while3A_20 : i32 to index
      %get3A_27 = arith.constant 32 : index
      %get3A_28 = tpu.vector_load %arg4[%get3A_26, %get3A_27] {strides = array<i32>} : memref<120x128xi32, #tpu.memory_space<vmem>>, vector<16xi32>,
      tpu.vector_store_idx %arg5[%get3A_28], %broadcast_in_dim3A_10 {add = true} : memref<10240xf32, #tpu.memory_space<vmem>>[vector<16xi32>], vector<16xf32>,
      %get3A_29 = arith.index_cast %while3A_20 : i32 to index
      %get3A_30 = arith.constant 48 : index
      %get3A_31 = tpu.vector_load %arg4[%get3A_29, %get3A_30] {strides = array<i32>} : memref<120x128xi32, #tpu.memory_space<vmem>>, vector<16xi32>,
      tpu.vector_store_idx %arg5[%get3A_31], %broadcast_in_dim3A_10 {add = true} : memref<10240xf32, #tpu.memory_space<vmem>>[vector<16xi32>], vector<16xf32>,
      %get3A_32 = arith.index_cast %while3A_20 : i32 to index
      %get3A_33 = arith.constant 64 : index
      %get3A_34 = tpu.vector_load %arg4[%get3A_32, %get3A_33] {strides = array<i32>} : memref<120x128xi32, #tpu.memory_space<vmem>>, vector<16xi32>,
      tpu.vector_store_idx %arg5[%get3A_34], %broadcast_in_dim3A_10 {add = true} : memref<10240xf32, #tpu.memory_space<vmem>>[vector<16xi32>], vector<16xf32>,
      %get3A_35 = arith.index_cast %while3A_20 : i32 to index
      %get3A_36 = arith.constant 80 : index
      %get3A_37 = tpu.vector_load %arg4[%get3A_35, %get3A_36] {strides = array<i32>} : memref<120x128xi32, #tpu.memory_space<vmem>>, vector<16xi32>,
      tpu.vector_store_idx %arg5[%get3A_37], %broadcast_in_dim3A_10 {add = true} : memref<10240xf32, #tpu.memory_space<vmem>>[vector<16xi32>], vector<16xf32>,
      %get3A_38 = arith.index_cast %while3A_20 : i32 to index
      %get3A_39 = arith.constant 96 : index
      %get3A_40 = tpu.vector_load %arg4[%get3A_38, %get3A_39] {strides = array<i32>} : memref<120x128xi32, #tpu.memory_space<vmem>>, vector<16xi32>,
      tpu.vector_store_idx %arg5[%get3A_40], %broadcast_in_dim3A_10 {add = true} : memref<10240xf32, #tpu.memory_space<vmem>>[vector<16xi32>], vector<16xf32>,
      %get3A_41 = arith.index_cast %while3A_20 : i32 to index
      %get3A_42 = arith.constant 112 : index
      %get3A_43 = tpu.vector_load %arg4[%get3A_41, %get3A_42] {strides = array<i32>} : memref<120x128xi32, #tpu.memory_space<vmem>>, vector<16xi32>,
      tpu.vector_store_idx %arg5[%get3A_43], %broadcast_in_dim3A_10 {add = true} : memref<10240xf32, #tpu.memory_space<vmem>>[vector<16xi32>], vector<16xf32>,
    }
    "tpu.region"() ({
      %run_scoped3A = tpu.sem_alloc : memref<!tpu.dma_semaphore, #tpu.memory_space<semaphore_mem>>
      %dma_start3A = arith.constant 0 : i32
      %dma_start3A_20 = tpu.memref_slice %arg3[%add3A, %dma_start3A] : memref<32x10240xf32, #tpu.memory_space<hbm>> -> memref<1x10240xf32, #tpu.memory_space<hbm>>
      %dma_start3A_21 = tpu.memref_squeeze %dma_start3A_20 : memref<1x10240xf32, #tpu.memory_space<hbm>> -> memref<10240xf32, #tpu.memory_space<hbm>>
      %dma_start3A_22 = arith.constant 0 : i32
      %dma_start3A_23 = tpu.memref_slice %arg3[%add3A, %dma_start3A_22] : memref<32x10240xf32, #tpu.memory_space<hbm>> -> memref<1x10240xf32, #tpu.memory_space<hbm>>
      %dma_start3A_24 = tpu.memref_squeeze %dma_start3A_23 : memref<1x10240xf32, #tpu.memory_space<hbm>> -> memref<10240xf32, #tpu.memory_space<hbm>>
      tpu.enqueue_dma source(%arg5 : memref<10240xf32, #tpu.memory_space<vmem>>) target(%dma_start3A_24 : memref<10240xf32, #tpu.memory_space<hbm>>) target_semaphore(%run_scoped3A : memref<!tpu.dma_semaphore, #tpu.memory_space<semaphore_mem>>)
      %dma_wait3A = arith.constant 0 : i32
      %dma_wait3A_25 = tpu.memref_slice %arg3[%add3A, %dma_wait3A] : memref<32x10240xf32, #tpu.memory_space<hbm>> -> memref<1x10240xf32, #tpu.memory_space<hbm>>
      %dma_wait3A_26 = tpu.memref_squeeze %dma_wait3A_25 : memref<1x10240xf32, #tpu.memory_space<hbm>> -> memref<10240xf32, #tpu.memory_space<hbm>>
      %dma_wait3A_27 = arith.constant 0 : i32
      %dma_wait3A_28 = tpu.memref_slice %arg3[%add3A, %dma_wait3A_27] : memref<32x10240xf32, #tpu.memory_space<hbm>> -> memref<1x10240xf32, #tpu.memory_space<hbm>>
      %dma_wait3A_29 = tpu.memref_squeeze %dma_wait3A_28 : memref<1x10240xf32, #tpu.memory_space<hbm>> -> memref<10240xf32, #tpu.memory_space<hbm>>
      tpu.wait_dma2 semaphore(%run_scoped3A : memref<!tpu.dma_semaphore, #tpu.memory_space<semaphore_mem>>) src(%arg5 : memref<10240xf32, #tpu.memory_space<vmem>>) dst(%dma_wait3A_29 : memref<10240xf32, #tpu.memory_space<hbm>>)
      tpu.yield
    }) : () -> ()
    return
  }
}

#map = affine_map<(d0, d1) -> (0, 0)>
#map1 = affine_map<(d0, d1) -> (0, 0, 0)>
module attributes {stable_mosaic.version = 14 : i64} {
  func.func @_edge_kernel(%arg0: i32, %arg1: i32, %arg2: memref<10240x128xf32, #tpu.memory_space<hbm>>, %arg3: memref<32x120x128xi32, #tpu.memory_space<hbm>>, %arg4: memref<32x120x128xi32, #tpu.memory_space<hbm>>, %arg5: memref<640x128xf32, #tpu.memory_space<hbm>>, %arg6: memref<2x10240x128xf32, #tpu.memory_space<hbm>>, %arg7: memref<40x128xi32, #tpu.memory_space<vmem>>, %arg8: memref<40x128xi32, #tpu.memory_space<vmem>>, %arg9: memref<128x128xf32, #tpu.memory_space<vmem>>, %arg10: memref<128x128xf32, #tpu.memory_space<vmem>>, %arg11: memref<10240x128xf32, #tpu.memory_space<vmem_shared>>, %arg12: memref<!tpu.dma_semaphore, #tpu.memory_space<semaphore_mem>>, %arg13: memref<!tpu.dma_semaphore, #tpu.memory_space<semaphore_mem>>) attributes {dimension_semantics = [#tpu.dimension_semantics<core_parallel>, #tpu.dimension_semantics<subcore_parallel>], iteration_bounds = array<i64: 2, 16>, scalar_prefetch = 0 : i64, scratch_operands = 7 : i64, tpu.core_type = #tpu.core_type<sc_vector_subcore>, window_params = [{transform_indices = #map}, {transform_indices = #map1}, {transform_indices = #map1}, {transform_indices = #map}, {transform_indices = #map1}]} {
    %mul3A = arith.constant 2 : i32
    %mul3A_0 = arith.muli %arg1, %mul3A : i32
    %add3A = arith.addi %mul3A_0, %arg0 : i32
    %mul3A_1 = arith.constant 640 : i32
    %mul3A_2 = arith.muli %arg1, %mul3A_1 : i32
    "tpu.region"() ({
      %run_scoped3A = tpu.sem_alloc : memref<!tpu.dma_semaphore, #tpu.memory_space<semaphore_mem>>
      %dma_start3A = arith.constant 0 : i32
      %dma_start3A_19 = tpu.memref_slice %arg11[%mul3A_2, %dma_start3A] : memref<10240x128xf32, #tpu.memory_space<vmem_shared>> -> memref<640x128xf32, #tpu.memory_space<vmem_shared>>
      tpu.enqueue_dma source(%arg5 : memref<640x128xf32, #tpu.memory_space<hbm>>) target(%dma_start3A_19 : memref<640x128xf32, #tpu.memory_space<vmem_shared>>) target_semaphore(%run_scoped3A : memref<!tpu.dma_semaphore, #tpu.memory_space<semaphore_mem>>)
      %dma_wait3A = arith.constant 0 : i32
      %dma_wait3A_20 = tpu.memref_slice %arg11[%mul3A_2, %dma_wait3A] : memref<10240x128xf32, #tpu.memory_space<vmem_shared>> -> memref<640x128xf32, #tpu.memory_space<vmem_shared>>
      tpu.wait_dma2 semaphore(%run_scoped3A : memref<!tpu.dma_semaphore, #tpu.memory_space<semaphore_mem>>) src(%arg5 : memref<640x128xf32, #tpu.memory_space<hbm>>) dst(%dma_wait3A_20 : memref<640x128xf32, #tpu.memory_space<vmem_shared>>)
      tpu.yield
    }) : () -> ()
    %barrier3A = arith.constant 0 : index
    tpu.barrier barrier_id(%barrier3A)
    %eq3A = arith.constant 0 : i32
    %eq3A_3 = arith.cmpi eq, %arg0, %eq3A : i32
    %jit3A = arith.constant 3 : i32
    %jit3A_4 = arith.constant 1 : i32
    %select_n3A = arith.select %eq3A_3, %jit3A, %jit3A_4 : i32
    %while3A = arith.constant 0 : i32
    %while3A_5 = arith.constant 0 : i32
    %while3A_6 = arith.subi %select_n3A, %while3A_5 : i32
    %while3A_7 = arith.addi %while3A_5, %while3A_6 : i32
    %while3A_8 = arith.constant 1 : i32
    %while3A_9 = arith.divsi %while3A_6, %while3A_8 : i32
    %while3A_10 = arith.muli %while3A_9, %while3A_8 : i32
    %while3A_11 = arith.addi %while3A_5, %while3A_10 : i32
    %while3A_12 = arith.constant 1 : i32
    scf.for %while3A_19 = %while3A_5 to %while3A_11 step %while3A_12  : i32 {
      %mul3A_20 = arith.constant 40 : i32
      %mul3A_21 = arith.muli %while3A_19, %mul3A_20 : i32
      "tpu.region"() ({
        %run_scoped3A = tpu.sem_alloc : memref<!tpu.dma_semaphore, #tpu.memory_space<semaphore_mem>>
        %dma_start3A_35 = arith.constant 0 : i32
        %dma_start3A_36 = tpu.memref_slice %arg3[%add3A, %mul3A_21, %dma_start3A_35] : memref<32x120x128xi32, #tpu.memory_space<hbm>> -> memref<1x40x128xi32, #tpu.memory_space<hbm>>
        %dma_start3A_37 = tpu.memref_squeeze %dma_start3A_36 : memref<1x40x128xi32, #tpu.memory_space<hbm>> -> memref<40x128xi32, #tpu.memory_space<hbm>>
        %dma_start3A_38 = arith.constant 0 : i32
        %dma_start3A_39 = tpu.memref_slice %arg3[%add3A, %mul3A_21, %dma_start3A_38] : memref<32x120x128xi32, #tpu.memory_space<hbm>> -> memref<1x40x128xi32, #tpu.memory_space<hbm>>
        %dma_start3A_40 = tpu.memref_squeeze %dma_start3A_39 : memref<1x40x128xi32, #tpu.memory_space<hbm>> -> memref<40x128xi32, #tpu.memory_space<hbm>>
        tpu.enqueue_dma source(%dma_start3A_40 : memref<40x128xi32, #tpu.memory_space<hbm>>) target(%arg7 : memref<40x128xi32, #tpu.memory_space<vmem>>) target_semaphore(%run_scoped3A : memref<!tpu.dma_semaphore, #tpu.memory_space<semaphore_mem>>)
        %dma_wait3A = arith.constant 0 : i32
        %dma_wait3A_41 = tpu.memref_slice %arg3[%add3A, %mul3A_21, %dma_wait3A] : memref<32x120x128xi32, #tpu.memory_space<hbm>> -> memref<1x40x128xi32, #tpu.memory_space<hbm>>
        %dma_wait3A_42 = tpu.memref_squeeze %dma_wait3A_41 : memref<1x40x128xi32, #tpu.memory_space<hbm>> -> memref<40x128xi32, #tpu.memory_space<hbm>>
        %dma_wait3A_43 = arith.constant 0 : i32
        %dma_wait3A_44 = tpu.memref_slice %arg3[%add3A, %mul3A_21, %dma_wait3A_43] : memref<32x120x128xi32, #tpu.memory_space<hbm>> -> memref<1x40x128xi32, #tpu.memory_space<hbm>>
        %dma_wait3A_45 = tpu.memref_squeeze %dma_wait3A_44 : memref<1x40x128xi32, #tpu.memory_space<hbm>> -> memref<40x128xi32, #tpu.memory_space<hbm>>
        tpu.wait_dma2 semaphore(%run_scoped3A : memref<!tpu.dma_semaphore, #tpu.memory_space<semaphore_mem>>) src(%dma_wait3A_45 : memref<40x128xi32, #tpu.memory_space<hbm>>) dst(%arg7 : memref<40x128xi32, #tpu.memory_space<vmem>>)
        tpu.yield
      }) : () -> ()
      %mul3A_22 = arith.constant 40 : i32
      %mul3A_23 = arith.muli %while3A_19, %mul3A_22 : i32
      "tpu.region"() ({
        %run_scoped3A = tpu.sem_alloc : memref<!tpu.dma_semaphore, #tpu.memory_space<semaphore_mem>>
        %dma_start3A_35 = arith.constant 0 : i32
        %dma_start3A_36 = tpu.memref_slice %arg4[%add3A, %mul3A_23, %dma_start3A_35] : memref<32x120x128xi32, #tpu.memory_space<hbm>> -> memref<1x40x128xi32, #tpu.memory_space<hbm>>
        %dma_start3A_37 = tpu.memref_squeeze %dma_start3A_36 : memref<1x40x128xi32, #tpu.memory_space<hbm>> -> memref<40x128xi32, #tpu.memory_space<hbm>>
        %dma_start3A_38 = arith.constant 0 : i32
        %dma_start3A_39 = tpu.memref_slice %arg4[%add3A, %mul3A_23, %dma_start3A_38] : memref<32x120x128xi32, #tpu.memory_space<hbm>> -> memref<1x40x128xi32, #tpu.memory_space<hbm>>
        %dma_start3A_40 = tpu.memref_squeeze %dma_start3A_39 : memref<1x40x128xi32, #tpu.memory_space<hbm>> -> memref<40x128xi32, #tpu.memory_space<hbm>>
        tpu.enqueue_dma source(%dma_start3A_40 : memref<40x128xi32, #tpu.memory_space<hbm>>) target(%arg8 : memref<40x128xi32, #tpu.memory_space<vmem>>) target_semaphore(%run_scoped3A : memref<!tpu.dma_semaphore, #tpu.memory_space<semaphore_mem>>)
        %dma_wait3A = arith.constant 0 : i32
        %dma_wait3A_41 = tpu.memref_slice %arg4[%add3A, %mul3A_23, %dma_wait3A] : memref<32x120x128xi32, #tpu.memory_space<hbm>> -> memref<1x40x128xi32, #tpu.memory_space<hbm>>
        %dma_wait3A_42 = tpu.memref_squeeze %dma_wait3A_41 : memref<1x40x128xi32, #tpu.memory_space<hbm>> -> memref<40x128xi32, #tpu.memory_space<hbm>>
        %dma_wait3A_43 = arith.constant 0 : i32
        %dma_wait3A_44 = tpu.memref_slice %arg4[%add3A, %mul3A_23, %dma_wait3A_43] : memref<32x120x128xi32, #tpu.memory_space<hbm>> -> memref<1x40x128xi32, #tpu.memory_space<hbm>>
        %dma_wait3A_45 = tpu.memref_squeeze %dma_wait3A_44 : memref<1x40x128xi32, #tpu.memory_space<hbm>> -> memref<40x128xi32, #tpu.memory_space<hbm>>
        tpu.wait_dma2 semaphore(%run_scoped3A : memref<!tpu.dma_semaphore, #tpu.memory_space<semaphore_mem>>) src(%dma_wait3A_45 : memref<40x128xi32, #tpu.memory_space<hbm>>) dst(%arg8 : memref<40x128xi32, #tpu.memory_space<vmem>>)
        tpu.yield
      }) : () -> ()
      %dma_start3A = arith.constant 0 : i32
      %dma_start3A_24 = arith.constant 0 : i32
      %dma_start3A_25 = tpu.memref_slice %arg7[%dma_start3A, %dma_start3A_24] : memref<40x128xi32, #tpu.memory_space<vmem>> -> memref<1x128xi32, #tpu.memory_space<vmem>>
      %dma_start3A_26 = tpu.memref_squeeze %dma_start3A_25 : memref<1x128xi32, #tpu.memory_space<vmem>> -> memref<128xi32, #tpu.memory_space<vmem>>
      %dma_start3A_27 = arith.constant 0 : i32
      %dma_start3A_28 = arith.constant 0 : i32
      %dma_start3A_29 = tpu.memref_slice %arg2[%dma_start3A_27, %dma_start3A_28] : memref<10240x128xf32, #tpu.memory_space<hbm>> -> memref<10240x128xf32, #tpu.memory_space<hbm>>
      tpu.enqueue_indirect_dma source(%dma_start3A_29 : memref<10240x128xf32, #tpu.memory_space<hbm>>) target(%arg9 : memref<128x128xf32, #tpu.memory_space<vmem>>) offsets(%dma_start3A_26 : memref<128xi32, #tpu.memory_space<vmem>>) semaphore(%arg12 : memref<!tpu.dma_semaphore, #tpu.memory_space<semaphore_mem>>)
      %scan3A = arith.constant 0 : i32
      %scan3A_30 = arith.constant 0 : i32
      %scan3A_31 = arith.constant 20 : i32
      %scan3A_32 = arith.addi %scan3A_30, %scan3A_31 : i32
      %scan3A_33 = arith.constant 1 : i32
      scf.for %scan3A_35 = %scan3A_30 to %scan3A_32 step %scan3A_33  : i32 {
        %mul3A_36 = arith.constant 2 : i32
        %mul3A_37 = arith.muli %mul3A_36, %scan3A_35 : i32
        %add3A_38 = arith.constant 1 : i32
        %add3A_39 = arith.addi %mul3A_37, %add3A_38 : i32
        %dma_start3A_40 = arith.constant 0 : i32
        %dma_start3A_41 = tpu.memref_slice %arg7[%add3A_39, %dma_start3A_40] : memref<40x128xi32, #tpu.memory_space<vmem>> -> memref<1x128xi32, #tpu.memory_space<vmem>>
        %dma_start3A_42 = tpu.memref_squeeze %dma_start3A_41 : memref<1x128xi32, #tpu.memory_space<vmem>> -> memref<128xi32, #tpu.memory_space<vmem>>
        %dma_start3A_43 = arith.constant 0 : i32
        %dma_start3A_44 = arith.constant 0 : i32
        %dma_start3A_45 = tpu.memref_slice %arg2[%dma_start3A_43, %dma_start3A_44] : memref<10240x128xf32, #tpu.memory_space<hbm>> -> memref<10240x128xf32, #tpu.memory_space<hbm>>
        tpu.enqueue_indirect_dma source(%dma_start3A_45 : memref<10240x128xf32, #tpu.memory_space<hbm>>) target(%arg10 : memref<128x128xf32, #tpu.memory_space<vmem>>) offsets(%dma_start3A_42 : memref<128xi32, #tpu.memory_space<vmem>>) semaphore(%arg13 : memref<!tpu.dma_semaphore, #tpu.memory_space<semaphore_mem>>)
        %dma_wait3A = arith.constant 0 : i32
        %dma_wait3A_46 = tpu.memref_slice %arg7[%mul3A_37, %dma_wait3A] : memref<40x128xi32, #tpu.memory_space<vmem>> -> memref<1x128xi32, #tpu.memory_space<vmem>>
        %dma_wait3A_47 = tpu.memref_squeeze %dma_wait3A_46 : memref<1x128xi32, #tpu.memory_space<vmem>> -> memref<128xi32, #tpu.memory_space<vmem>>
        %dma_wait3A_48 = arith.constant 0 : i32
        %dma_wait3A_49 = arith.constant 0 : i32
        %dma_wait3A_50 = tpu.memref_slice %arg2[%dma_wait3A_48, %dma_wait3A_49] : memref<10240x128xf32, #tpu.memory_space<hbm>> -> memref<10240x128xf32, #tpu.memory_space<hbm>>
        tpu.wait_indirect_dma semaphore(%arg12 : memref<!tpu.dma_semaphore, #tpu.memory_space<semaphore_mem>>) src(%dma_wait3A_50 : memref<10240x128xf32, #tpu.memory_space<hbm>>) dst(%arg9 : memref<128x128xf32, #tpu.memory_space<vmem>>)
        "tpu.region"() ({
          %run_scoped3A = tpu.sem_alloc : memref<!tpu.dma_semaphore, #tpu.memory_space<semaphore_mem>>
          %dma_start3A_63 = arith.constant 0 : i32
          %dma_start3A_64 = tpu.memref_slice %arg8[%mul3A_37, %dma_start3A_63] : memref<40x128xi32, #tpu.memory_space<vmem>> -> memref<1x128xi32, #tpu.memory_space<vmem>>
          %dma_start3A_65 = tpu.memref_squeeze %dma_start3A_64 : memref<1x128xi32, #tpu.memory_space<vmem>> -> memref<128xi32, #tpu.memory_space<vmem>>
          %dma_start3A_66 = arith.constant 0 : i32
          %dma_start3A_67 = arith.constant 0 : i32
          %dma_start3A_68 = tpu.memref_slice %arg11[%dma_start3A_66, %dma_start3A_67] : memref<10240x128xf32, #tpu.memory_space<vmem_shared>> -> memref<10240x128xf32, #tpu.memory_space<vmem_shared>>
          tpu.enqueue_indirect_dma source(%arg9 : memref<128x128xf32, #tpu.memory_space<vmem>>) target(%dma_start3A_68 : memref<10240x128xf32, #tpu.memory_space<vmem_shared>>) offsets(%dma_start3A_65 : memref<128xi32, #tpu.memory_space<vmem>>) semaphore(%run_scoped3A : memref<!tpu.dma_semaphore, #tpu.memory_space<semaphore_mem>>) {add = true}
          %dma_wait3A_69 = arith.constant 0 : i32
          %dma_wait3A_70 = tpu.memref_slice %arg8[%mul3A_37, %dma_wait3A_69] : memref<40x128xi32, #tpu.memory_space<vmem>> -> memref<1x128xi32, #tpu.memory_space<vmem>>
          %dma_wait3A_71 = tpu.memref_squeeze %dma_wait3A_70 : memref<1x128xi32, #tpu.memory_space<vmem>> -> memref<128xi32, #tpu.memory_space<vmem>>
          %dma_wait3A_72 = arith.constant 0 : i32
          %dma_wait3A_73 = arith.constant 0 : i32
          %dma_wait3A_74 = tpu.memref_slice %arg11[%dma_wait3A_72, %dma_wait3A_73] : memref<10240x128xf32, #tpu.memory_space<vmem_shared>> -> memref<10240x128xf32, #tpu.memory_space<vmem_shared>>
          tpu.wait_indirect_dma semaphore(%run_scoped3A : memref<!tpu.dma_semaphore, #tpu.memory_space<semaphore_mem>>) src(%arg9 : memref<128x128xf32, #tpu.memory_space<vmem>>) dst(%dma_wait3A_74 : memref<10240x128xf32, #tpu.memory_space<vmem_shared>>)
          tpu.yield
        }) : () -> ()
        %lt3A = arith.constant 19 : i32
        %lt3A_51 = arith.cmpi slt, %scan3A_35, %lt3A : i32
        %convert_element_type3A = arith.extui %lt3A_51 : i1 to i32
        %cond3A = arith.constant 0 : i32
        %cond3A_52 = arith.cmpi ne, %convert_element_type3A, %cond3A : i32
        scf.if %cond3A_52 {
          %add3A_63 = arith.constant 2 : i32
          %add3A_64 = arith.addi %mul3A_37, %add3A_63 : i32
          %dma_start3A_65 = arith.constant 0 : i32
          %dma_start3A_66 = tpu.memref_slice %arg7[%add3A_64, %dma_start3A_65] : memref<40x128xi32, #tpu.memory_space<vmem>> -> memref<1x128xi32, #tpu.memory_space<vmem>>
          %dma_start3A_67 = tpu.memref_squeeze %dma_start3A_66 : memref<1x128xi32, #tpu.memory_space<vmem>> -> memref<128xi32, #tpu.memory_space<vmem>>
          %dma_start3A_68 = arith.constant 0 : i32
          %dma_start3A_69 = arith.constant 0 : i32
          %dma_start3A_70 = tpu.memref_slice %arg2[%dma_start3A_68, %dma_start3A_69] : memref<10240x128xf32, #tpu.memory_space<hbm>> -> memref<10240x128xf32, #tpu.memory_space<hbm>>
          tpu.enqueue_indirect_dma source(%dma_start3A_70 : memref<10240x128xf32, #tpu.memory_space<hbm>>) target(%arg9 : memref<128x128xf32, #tpu.memory_space<vmem>>) offsets(%dma_start3A_67 : memref<128xi32, #tpu.memory_space<vmem>>) semaphore(%arg12 : memref<!tpu.dma_semaphore, #tpu.memory_space<semaphore_mem>>)
        } else {
        }
        %add3A_53 = arith.constant 1 : i32
        %add3A_54 = arith.addi %mul3A_37, %add3A_53 : i32
        %dma_wait3A_55 = arith.constant 0 : i32
        %dma_wait3A_56 = tpu.memref_slice %arg7[%add3A_54, %dma_wait3A_55] : memref<40x128xi32, #tpu.memory_space<vmem>> -> memref<1x128xi32, #tpu.memory_space<vmem>>
        %dma_wait3A_57 = tpu.memref_squeeze %dma_wait3A_56 : memref<1x128xi32, #tpu.memory_space<vmem>> -> memref<128xi32, #tpu.memory_space<vmem>>
        %dma_wait3A_58 = arith.constant 0 : i32
        %dma_wait3A_59 = arith.constant 0 : i32
        %dma_wait3A_60 = tpu.memref_slice %arg2[%dma_wait3A_58, %dma_wait3A_59] : memref<10240x128xf32, #tpu.memory_space<hbm>> -> memref<10240x128xf32, #tpu.memory_space<hbm>>
        tpu.wait_indirect_dma semaphore(%arg13 : memref<!tpu.dma_semaphore, #tpu.memory_space<semaphore_mem>>) src(%dma_wait3A_60 : memref<10240x128xf32, #tpu.memory_space<hbm>>) dst(%arg10 : memref<128x128xf32, #tpu.memory_space<vmem>>)
        %add3A_61 = arith.constant 1 : i32
        %add3A_62 = arith.addi %mul3A_37, %add3A_61 : i32
        "tpu.region"() ({
          %run_scoped3A = tpu.sem_alloc : memref<!tpu.dma_semaphore, #tpu.memory_space<semaphore_mem>>
          %dma_start3A_63 = arith.constant 0 : i32
          %dma_start3A_64 = tpu.memref_slice %arg8[%add3A_62, %dma_start3A_63] : memref<40x128xi32, #tpu.memory_space<vmem>> -> memref<1x128xi32, #tpu.memory_space<vmem>>
          %dma_start3A_65 = tpu.memref_squeeze %dma_start3A_64 : memref<1x128xi32, #tpu.memory_space<vmem>> -> memref<128xi32, #tpu.memory_space<vmem>>
          %dma_start3A_66 = arith.constant 0 : i32
          %dma_start3A_67 = arith.constant 0 : i32
          %dma_start3A_68 = tpu.memref_slice %arg11[%dma_start3A_66, %dma_start3A_67] : memref<10240x128xf32, #tpu.memory_space<vmem_shared>> -> memref<10240x128xf32, #tpu.memory_space<vmem_shared>>
          tpu.enqueue_indirect_dma source(%arg10 : memref<128x128xf32, #tpu.memory_space<vmem>>) target(%dma_start3A_68 : memref<10240x128xf32, #tpu.memory_space<vmem_shared>>) offsets(%dma_start3A_65 : memref<128xi32, #tpu.memory_space<vmem>>) semaphore(%run_scoped3A : memref<!tpu.dma_semaphore, #tpu.memory_space<semaphore_mem>>) {add = true}
          %dma_wait3A_69 = arith.constant 0 : i32
          %dma_wait3A_70 = tpu.memref_slice %arg8[%add3A_62, %dma_wait3A_69] : memref<40x128xi32, #tpu.memory_space<vmem>> -> memref<1x128xi32, #tpu.memory_space<vmem>>
          %dma_wait3A_71 = tpu.memref_squeeze %dma_wait3A_70 : memref<1x128xi32, #tpu.memory_space<vmem>> -> memref<128xi32, #tpu.memory_space<vmem>>
          %dma_wait3A_72 = arith.constant 0 : i32
          %dma_wait3A_73 = arith.constant 0 : i32
          %dma_wait3A_74 = tpu.memref_slice %arg11[%dma_wait3A_72, %dma_wait3A_73] : memref<10240x128xf32, #tpu.memory_space<vmem_shared>> -> memref<10240x128xf32, #tpu.memory_space<vmem_shared>>
          tpu.wait_indirect_dma semaphore(%run_scoped3A : memref<!tpu.dma_semaphore, #tpu.memory_space<semaphore_mem>>) src(%arg10 : memref<128x128xf32, #tpu.memory_space<vmem>>) dst(%dma_wait3A_74 : memref<10240x128xf32, #tpu.memory_space<vmem_shared>>)
          tpu.yield
        }) : () -> ()
      }
      %scan3A_34 = arith.constant 20 : i32
    }
    %while3A_13 = arith.constant 1 : i32
    scf.for %while3A_19 = %while3A_11 to %while3A_7 step %while3A_13  : i32 {
      %mul3A_20 = arith.constant 40 : i32
      %mul3A_21 = arith.muli %while3A_19, %mul3A_20 : i32
      "tpu.region"() ({
        %run_scoped3A = tpu.sem_alloc : memref<!tpu.dma_semaphore, #tpu.memory_space<semaphore_mem>>
        %dma_start3A_35 = arith.constant 0 : i32
        %dma_start3A_36 = tpu.memref_slice %arg3[%add3A, %mul3A_21, %dma_start3A_35] : memref<32x120x128xi32, #tpu.memory_space<hbm>> -> memref<1x40x128xi32, #tpu.memory_space<hbm>>
        %dma_start3A_37 = tpu.memref_squeeze %dma_start3A_36 : memref<1x40x128xi32, #tpu.memory_space<hbm>> -> memref<40x128xi32, #tpu.memory_space<hbm>>
        %dma_start3A_38 = arith.constant 0 : i32
        %dma_start3A_39 = tpu.memref_slice %arg3[%add3A, %mul3A_21, %dma_start3A_38] : memref<32x120x128xi32, #tpu.memory_space<hbm>> -> memref<1x40x128xi32, #tpu.memory_space<hbm>>
        %dma_start3A_40 = tpu.memref_squeeze %dma_start3A_39 : memref<1x40x128xi32, #tpu.memory_space<hbm>> -> memref<40x128xi32, #tpu.memory_space<hbm>>
        tpu.enqueue_dma source(%dma_start3A_40 : memref<40x128xi32, #tpu.memory_space<hbm>>) target(%arg7 : memref<40x128xi32, #tpu.memory_space<vmem>>) target_semaphore(%run_scoped3A : memref<!tpu.dma_semaphore, #tpu.memory_space<semaphore_mem>>)
        %dma_wait3A = arith.constant 0 : i32
        %dma_wait3A_41 = tpu.memref_slice %arg3[%add3A, %mul3A_21, %dma_wait3A] : memref<32x120x128xi32, #tpu.memory_space<hbm>> -> memref<1x40x128xi32, #tpu.memory_space<hbm>>
        %dma_wait3A_42 = tpu.memref_squeeze %dma_wait3A_41 : memref<1x40x128xi32, #tpu.memory_space<hbm>> -> memref<40x128xi32, #tpu.memory_space<hbm>>
        %dma_wait3A_43 = arith.constant 0 : i32
        %dma_wait3A_44 = tpu.memref_slice %arg3[%add3A, %mul3A_21, %dma_wait3A_43] : memref<32x120x128xi32, #tpu.memory_space<hbm>> -> memref<1x40x128xi32, #tpu.memory_space<hbm>>
        %dma_wait3A_45 = tpu.memref_squeeze %dma_wait3A_44 : memref<1x40x128xi32, #tpu.memory_space<hbm>> -> memref<40x128xi32, #tpu.memory_space<hbm>>
        tpu.wait_dma2 semaphore(%run_scoped3A : memref<!tpu.dma_semaphore, #tpu.memory_space<semaphore_mem>>) src(%dma_wait3A_45 : memref<40x128xi32, #tpu.memory_space<hbm>>) dst(%arg7 : memref<40x128xi32, #tpu.memory_space<vmem>>)
        tpu.yield
      }) : () -> ()
      %mul3A_22 = arith.constant 40 : i32
      %mul3A_23 = arith.muli %while3A_19, %mul3A_22 : i32
      "tpu.region"() ({
        %run_scoped3A = tpu.sem_alloc : memref<!tpu.dma_semaphore, #tpu.memory_space<semaphore_mem>>
        %dma_start3A_35 = arith.constant 0 : i32
        %dma_start3A_36 = tpu.memref_slice %arg4[%add3A, %mul3A_23, %dma_start3A_35] : memref<32x120x128xi32, #tpu.memory_space<hbm>> -> memref<1x40x128xi32, #tpu.memory_space<hbm>>
        %dma_start3A_37 = tpu.memref_squeeze %dma_start3A_36 : memref<1x40x128xi32, #tpu.memory_space<hbm>> -> memref<40x128xi32, #tpu.memory_space<hbm>>
        %dma_start3A_38 = arith.constant 0 : i32
        %dma_start3A_39 = tpu.memref_slice %arg4[%add3A, %mul3A_23, %dma_start3A_38] : memref<32x120x128xi32, #tpu.memory_space<hbm>> -> memref<1x40x128xi32, #tpu.memory_space<hbm>>
        %dma_start3A_40 = tpu.memref_squeeze %dma_start3A_39 : memref<1x40x128xi32, #tpu.memory_space<hbm>> -> memref<40x128xi32, #tpu.memory_space<hbm>>
        tpu.enqueue_dma source(%dma_start3A_40 : memref<40x128xi32, #tpu.memory_space<hbm>>) target(%arg8 : memref<40x128xi32, #tpu.memory_space<vmem>>) target_semaphore(%run_scoped3A : memref<!tpu.dma_semaphore, #tpu.memory_space<semaphore_mem>>)
        %dma_wait3A = arith.constant 0 : i32
        %dma_wait3A_41 = tpu.memref_slice %arg4[%add3A, %mul3A_23, %dma_wait3A] : memref<32x120x128xi32, #tpu.memory_space<hbm>> -> memref<1x40x128xi32, #tpu.memory_space<hbm>>
        %dma_wait3A_42 = tpu.memref_squeeze %dma_wait3A_41 : memref<1x40x128xi32, #tpu.memory_space<hbm>> -> memref<40x128xi32, #tpu.memory_space<hbm>>
        %dma_wait3A_43 = arith.constant 0 : i32
        %dma_wait3A_44 = tpu.memref_slice %arg4[%add3A, %mul3A_23, %dma_wait3A_43] : memref<32x120x128xi32, #tpu.memory_space<hbm>> -> memref<1x40x128xi32, #tpu.memory_space<hbm>>
        %dma_wait3A_45 = tpu.memref_squeeze %dma_wait3A_44 : memref<1x40x128xi32, #tpu.memory_space<hbm>> -> memref<40x128xi32, #tpu.memory_space<hbm>>
        tpu.wait_dma2 semaphore(%run_scoped3A : memref<!tpu.dma_semaphore, #tpu.memory_space<semaphore_mem>>) src(%dma_wait3A_45 : memref<40x128xi32, #tpu.memory_space<hbm>>) dst(%arg8 : memref<40x128xi32, #tpu.memory_space<vmem>>)
        tpu.yield
      }) : () -> ()
      %dma_start3A = arith.constant 0 : i32
      %dma_start3A_24 = arith.constant 0 : i32
      %dma_start3A_25 = tpu.memref_slice %arg7[%dma_start3A, %dma_start3A_24] : memref<40x128xi32, #tpu.memory_space<vmem>> -> memref<1x128xi32, #tpu.memory_space<vmem>>
      %dma_start3A_26 = tpu.memref_squeeze %dma_start3A_25 : memref<1x128xi32, #tpu.memory_space<vmem>> -> memref<128xi32, #tpu.memory_space<vmem>>
      %dma_start3A_27 = arith.constant 0 : i32
      %dma_start3A_28 = arith.constant 0 : i32
      %dma_start3A_29 = tpu.memref_slice %arg2[%dma_start3A_27, %dma_start3A_28] : memref<10240x128xf32, #tpu.memory_space<hbm>> -> memref<10240x128xf32, #tpu.memory_space<hbm>>
      tpu.enqueue_indirect_dma source(%dma_start3A_29 : memref<10240x128xf32, #tpu.memory_space<hbm>>) target(%arg9 : memref<128x128xf32, #tpu.memory_space<vmem>>) offsets(%dma_start3A_26 : memref<128xi32, #tpu.memory_space<vmem>>) semaphore(%arg12 : memref<!tpu.dma_semaphore, #tpu.memory_space<semaphore_mem>>)
      %scan3A = arith.constant 0 : i32
      %scan3A_30 = arith.constant 0 : i32
      %scan3A_31 = arith.constant 20 : i32
      %scan3A_32 = arith.addi %scan3A_30, %scan3A_31 : i32
      %scan3A_33 = arith.constant 1 : i32
      scf.for %scan3A_35 = %scan3A_30 to %scan3A_32 step %scan3A_33  : i32 {
        %mul3A_36 = arith.constant 2 : i32
        %mul3A_37 = arith.muli %mul3A_36, %scan3A_35 : i32
        %add3A_38 = arith.constant 1 : i32
        %add3A_39 = arith.addi %mul3A_37, %add3A_38 : i32
        %dma_start3A_40 = arith.constant 0 : i32
        %dma_start3A_41 = tpu.memref_slice %arg7[%add3A_39, %dma_start3A_40] : memref<40x128xi32, #tpu.memory_space<vmem>> -> memref<1x128xi32, #tpu.memory_space<vmem>>
        %dma_start3A_42 = tpu.memref_squeeze %dma_start3A_41 : memref<1x128xi32, #tpu.memory_space<vmem>> -> memref<128xi32, #tpu.memory_space<vmem>>
        %dma_start3A_43 = arith.constant 0 : i32
        %dma_start3A_44 = arith.constant 0 : i32
        %dma_start3A_45 = tpu.memref_slice %arg2[%dma_start3A_43, %dma_start3A_44] : memref<10240x128xf32, #tpu.memory_space<hbm>> -> memref<10240x128xf32, #tpu.memory_space<hbm>>
        tpu.enqueue_indirect_dma source(%dma_start3A_45 : memref<10240x128xf32, #tpu.memory_space<hbm>>) target(%arg10 : memref<128x128xf32, #tpu.memory_space<vmem>>) offsets(%dma_start3A_42 : memref<128xi32, #tpu.memory_space<vmem>>) semaphore(%arg13 : memref<!tpu.dma_semaphore, #tpu.memory_space<semaphore_mem>>)
        %dma_wait3A = arith.constant 0 : i32
        %dma_wait3A_46 = tpu.memref_slice %arg7[%mul3A_37, %dma_wait3A] : memref<40x128xi32, #tpu.memory_space<vmem>> -> memref<1x128xi32, #tpu.memory_space<vmem>>
        %dma_wait3A_47 = tpu.memref_squeeze %dma_wait3A_46 : memref<1x128xi32, #tpu.memory_space<vmem>> -> memref<128xi32, #tpu.memory_space<vmem>>
        %dma_wait3A_48 = arith.constant 0 : i32
        %dma_wait3A_49 = arith.constant 0 : i32
        %dma_wait3A_50 = tpu.memref_slice %arg2[%dma_wait3A_48, %dma_wait3A_49] : memref<10240x128xf32, #tpu.memory_space<hbm>> -> memref<10240x128xf32, #tpu.memory_space<hbm>>
        tpu.wait_indirect_dma semaphore(%arg12 : memref<!tpu.dma_semaphore, #tpu.memory_space<semaphore_mem>>) src(%dma_wait3A_50 : memref<10240x128xf32, #tpu.memory_space<hbm>>) dst(%arg9 : memref<128x128xf32, #tpu.memory_space<vmem>>)
        "tpu.region"() ({
          %run_scoped3A = tpu.sem_alloc : memref<!tpu.dma_semaphore, #tpu.memory_space<semaphore_mem>>
          %dma_start3A_63 = arith.constant 0 : i32
          %dma_start3A_64 = tpu.memref_slice %arg8[%mul3A_37, %dma_start3A_63] : memref<40x128xi32, #tpu.memory_space<vmem>> -> memref<1x128xi32, #tpu.memory_space<vmem>>
          %dma_start3A_65 = tpu.memref_squeeze %dma_start3A_64 : memref<1x128xi32, #tpu.memory_space<vmem>> -> memref<128xi32, #tpu.memory_space<vmem>>
          %dma_start3A_66 = arith.constant 0 : i32
          %dma_start3A_67 = arith.constant 0 : i32
          %dma_start3A_68 = tpu.memref_slice %arg11[%dma_start3A_66, %dma_start3A_67] : memref<10240x128xf32, #tpu.memory_space<vmem_shared>> -> memref<10240x128xf32, #tpu.memory_space<vmem_shared>>
          tpu.enqueue_indirect_dma source(%arg9 : memref<128x128xf32, #tpu.memory_space<vmem>>) target(%dma_start3A_68 : memref<10240x128xf32, #tpu.memory_space<vmem_shared>>) offsets(%dma_start3A_65 : memref<128xi32, #tpu.memory_space<vmem>>) semaphore(%run_scoped3A : memref<!tpu.dma_semaphore, #tpu.memory_space<semaphore_mem>>) {add = true}
          %dma_wait3A_69 = arith.constant 0 : i32
          %dma_wait3A_70 = tpu.memref_slice %arg8[%mul3A_37, %dma_wait3A_69] : memref<40x128xi32, #tpu.memory_space<vmem>> -> memref<1x128xi32, #tpu.memory_space<vmem>>
          %dma_wait3A_71 = tpu.memref_squeeze %dma_wait3A_70 : memref<1x128xi32, #tpu.memory_space<vmem>> -> memref<128xi32, #tpu.memory_space<vmem>>
          %dma_wait3A_72 = arith.constant 0 : i32
          %dma_wait3A_73 = arith.constant 0 : i32
          %dma_wait3A_74 = tpu.memref_slice %arg11[%dma_wait3A_72, %dma_wait3A_73] : memref<10240x128xf32, #tpu.memory_space<vmem_shared>> -> memref<10240x128xf32, #tpu.memory_space<vmem_shared>>
          tpu.wait_indirect_dma semaphore(%run_scoped3A : memref<!tpu.dma_semaphore, #tpu.memory_space<semaphore_mem>>) src(%arg9 : memref<128x128xf32, #tpu.memory_space<vmem>>) dst(%dma_wait3A_74 : memref<10240x128xf32, #tpu.memory_space<vmem_shared>>)
          tpu.yield
        }) : () -> ()
        %lt3A = arith.constant 19 : i32
        %lt3A_51 = arith.cmpi slt, %scan3A_35, %lt3A : i32
        %convert_element_type3A = arith.extui %lt3A_51 : i1 to i32
        %cond3A = arith.constant 0 : i32
        %cond3A_52 = arith.cmpi ne, %convert_element_type3A, %cond3A : i32
        scf.if %cond3A_52 {
          %add3A_63 = arith.constant 2 : i32
          %add3A_64 = arith.addi %mul3A_37, %add3A_63 : i32
          %dma_start3A_65 = arith.constant 0 : i32
          %dma_start3A_66 = tpu.memref_slice %arg7[%add3A_64, %dma_start3A_65] : memref<40x128xi32, #tpu.memory_space<vmem>> -> memref<1x128xi32, #tpu.memory_space<vmem>>
          %dma_start3A_67 = tpu.memref_squeeze %dma_start3A_66 : memref<1x128xi32, #tpu.memory_space<vmem>> -> memref<128xi32, #tpu.memory_space<vmem>>
          %dma_start3A_68 = arith.constant 0 : i32
          %dma_start3A_69 = arith.constant 0 : i32
          %dma_start3A_70 = tpu.memref_slice %arg2[%dma_start3A_68, %dma_start3A_69] : memref<10240x128xf32, #tpu.memory_space<hbm>> -> memref<10240x128xf32, #tpu.memory_space<hbm>>
          tpu.enqueue_indirect_dma source(%dma_start3A_70 : memref<10240x128xf32, #tpu.memory_space<hbm>>) target(%arg9 : memref<128x128xf32, #tpu.memory_space<vmem>>) offsets(%dma_start3A_67 : memref<128xi32, #tpu.memory_space<vmem>>) semaphore(%arg12 : memref<!tpu.dma_semaphore, #tpu.memory_space<semaphore_mem>>)
        } else {
        }
        %add3A_53 = arith.constant 1 : i32
        %add3A_54 = arith.addi %mul3A_37, %add3A_53 : i32
        %dma_wait3A_55 = arith.constant 0 : i32
        %dma_wait3A_56 = tpu.memref_slice %arg7[%add3A_54, %dma_wait3A_55] : memref<40x128xi32, #tpu.memory_space<vmem>> -> memref<1x128xi32, #tpu.memory_space<vmem>>
        %dma_wait3A_57 = tpu.memref_squeeze %dma_wait3A_56 : memref<1x128xi32, #tpu.memory_space<vmem>> -> memref<128xi32, #tpu.memory_space<vmem>>
        %dma_wait3A_58 = arith.constant 0 : i32
        %dma_wait3A_59 = arith.constant 0 : i32
        %dma_wait3A_60 = tpu.memref_slice %arg2[%dma_wait3A_58, %dma_wait3A_59] : memref<10240x128xf32, #tpu.memory_space<hbm>> -> memref<10240x128xf32, #tpu.memory_space<hbm>>
        tpu.wait_indirect_dma semaphore(%arg13 : memref<!tpu.dma_semaphore, #tpu.memory_space<semaphore_mem>>) src(%dma_wait3A_60 : memref<10240x128xf32, #tpu.memory_space<hbm>>) dst(%arg10 : memref<128x128xf32, #tpu.memory_space<vmem>>)
        %add3A_61 = arith.constant 1 : i32
        %add3A_62 = arith.addi %mul3A_37, %add3A_61 : i32
        "tpu.region"() ({
          %run_scoped3A = tpu.sem_alloc : memref<!tpu.dma_semaphore, #tpu.memory_space<semaphore_mem>>
          %dma_start3A_63 = arith.constant 0 : i32
          %dma_start3A_64 = tpu.memref_slice %arg8[%add3A_62, %dma_start3A_63] : memref<40x128xi32, #tpu.memory_space<vmem>> -> memref<1x128xi32, #tpu.memory_space<vmem>>
          %dma_start3A_65 = tpu.memref_squeeze %dma_start3A_64 : memref<1x128xi32, #tpu.memory_space<vmem>> -> memref<128xi32, #tpu.memory_space<vmem>>
          %dma_start3A_66 = arith.constant 0 : i32
          %dma_start3A_67 = arith.constant 0 : i32
          %dma_start3A_68 = tpu.memref_slice %arg11[%dma_start3A_66, %dma_start3A_67] : memref<10240x128xf32, #tpu.memory_space<vmem_shared>> -> memref<10240x128xf32, #tpu.memory_space<vmem_shared>>
          tpu.enqueue_indirect_dma source(%arg10 : memref<128x128xf32, #tpu.memory_space<vmem>>) target(%dma_start3A_68 : memref<10240x128xf32, #tpu.memory_space<vmem_shared>>) offsets(%dma_start3A_65 : memref<128xi32, #tpu.memory_space<vmem>>) semaphore(%run_scoped3A : memref<!tpu.dma_semaphore, #tpu.memory_space<semaphore_mem>>) {add = true}
          %dma_wait3A_69 = arith.constant 0 : i32
          %dma_wait3A_70 = tpu.memref_slice %arg8[%add3A_62, %dma_wait3A_69] : memref<40x128xi32, #tpu.memory_space<vmem>> -> memref<1x128xi32, #tpu.memory_space<vmem>>
          %dma_wait3A_71 = tpu.memref_squeeze %dma_wait3A_70 : memref<1x128xi32, #tpu.memory_space<vmem>> -> memref<128xi32, #tpu.memory_space<vmem>>
          %dma_wait3A_72 = arith.constant 0 : i32
          %dma_wait3A_73 = arith.constant 0 : i32
          %dma_wait3A_74 = tpu.memref_slice %arg11[%dma_wait3A_72, %dma_wait3A_73] : memref<10240x128xf32, #tpu.memory_space<vmem_shared>> -> memref<10240x128xf32, #tpu.memory_space<vmem_shared>>
          tpu.wait_indirect_dma semaphore(%run_scoped3A : memref<!tpu.dma_semaphore, #tpu.memory_space<semaphore_mem>>) src(%arg10 : memref<128x128xf32, #tpu.memory_space<vmem>>) dst(%dma_wait3A_74 : memref<10240x128xf32, #tpu.memory_space<vmem_shared>>)
          tpu.yield
        }) : () -> ()
      }
      %scan3A_34 = arith.constant 20 : i32
    }
    %barrier3A_14 = arith.constant 0 : index
    tpu.barrier barrier_id(%barrier3A_14)
    %mul3A_15 = arith.constant 640 : i32
    %mul3A_16 = arith.muli %arg1, %mul3A_15 : i32
    %mul3A_17 = arith.constant 640 : i32
    %mul3A_18 = arith.muli %arg1, %mul3A_17 : i32
    "tpu.region"() ({
      %run_scoped3A = tpu.sem_alloc : memref<!tpu.dma_semaphore, #tpu.memory_space<semaphore_mem>>
      %dma_start3A = arith.constant 0 : i32
      %dma_start3A_19 = tpu.memref_slice %arg6[%arg0, %mul3A_18, %dma_start3A] : memref<2x10240x128xf32, #tpu.memory_space<hbm>> -> memref<1x640x128xf32, #tpu.memory_space<hbm>>
      %dma_start3A_20 = tpu.memref_squeeze %dma_start3A_19 : memref<1x640x128xf32, #tpu.memory_space<hbm>> -> memref<640x128xf32, #tpu.memory_space<hbm>>
      %dma_start3A_21 = arith.constant 0 : i32
      %dma_start3A_22 = tpu.memref_slice %arg11[%mul3A_16, %dma_start3A_21] : memref<10240x128xf32, #tpu.memory_space<vmem_shared>> -> memref<640x128xf32, #tpu.memory_space<vmem_shared>>
      tpu.enqueue_dma source(%dma_start3A_22 : memref<640x128xf32, #tpu.memory_space<vmem_shared>>) target(%dma_start3A_20 : memref<640x128xf32, #tpu.memory_space<hbm>>) target_semaphore(%run_scoped3A : memref<!tpu.dma_semaphore, #tpu.memory_space<semaphore_mem>>)
      %dma_wait3A = arith.constant 0 : i32
      %dma_wait3A_23 = tpu.memref_slice %arg6[%arg0, %mul3A_18, %dma_wait3A] : memref<2x10240x128xf32, #tpu.memory_space<hbm>> -> memref<1x640x128xf32, #tpu.memory_space<hbm>>
      %dma_wait3A_24 = tpu.memref_squeeze %dma_wait3A_23 : memref<1x640x128xf32, #tpu.memory_space<hbm>> -> memref<640x128xf32, #tpu.memory_space<hbm>>
      %dma_wait3A_25 = arith.constant 0 : i32
      %dma_wait3A_26 = tpu.memref_slice %arg11[%mul3A_16, %dma_wait3A_25] : memref<10240x128xf32, #tpu.memory_space<vmem_shared>> -> memref<640x128xf32, #tpu.memory_space<vmem_shared>>
      tpu.wait_dma2 semaphore(%run_scoped3A : memref<!tpu.dma_semaphore, #tpu.memory_space<semaphore_mem>>) src(%dma_wait3A_26 : memref<640x128xf32, #tpu.memory_space<vmem_shared>>) dst(%dma_wait3A_24 : memref<640x128xf32, #tpu.memory_space<hbm>>)
      tpu.yield
    }) : () -> ()
    return
  }
}

module attributes {stable_mosaic.version = 14 : i64} {
  func.func @_layer1_body(%arg0: i32, %arg1: memref<512x128xf32, #tpu.memory_space<vmem>>, %arg2: memref<128x128xf32, #tpu.memory_space<vmem>>, %arg3: memref<1x128xf32, #tpu.memory_space<vmem>>, %arg4: memref<32x512xf32, #tpu.memory_space<vmem>>, %arg5: memref<512x128xf32, #tpu.memory_space<vmem>>) attributes {dimension_semantics = [#tpu.dimension_semantics<arbitrary>], iteration_bounds = array<i64: 20>, scalar_prefetch = 0 : i64, scratch_operands = 0 : i64, tpu.core_type = #tpu.core_type<tc>, window_params = [{transform_indices = @transform_0, window_bounds = array<i64: 512, 128>}, {pipeline_mode = #tpu.pipeline_mode<synchronous>, transform_indices = @transform_1, window_bounds = array<i64: 128, 128>}, {pipeline_mode = #tpu.pipeline_mode<synchronous>, transform_indices = @transform_2, window_bounds = array<i64: 1, 128>}, {transform_indices = @transform_3, window_bounds = array<i64: 32, 512>}, {transform_indices = @transform_4, window_bounds = array<i64: 512, 128>}]} {
    %get3A = arith.constant 0 : index
    %get3A_0 = arith.constant 0 : index
    %get3A_1 = vector.load %arg4[%get3A, %get3A_0] : memref<32x512xf32, #tpu.memory_space<vmem>>, vector<32x512xf32>
    %broadcast_in_dim3A = arith.constant 1.000000e+00 : f32
    %broadcast_in_dim3A_2 = vector.broadcast %broadcast_in_dim3A : f32 to vector<32x1xf32>
    %dot_general3A = arith.constant dense<0.000000e+00> : vector<512x1xf32>
    %dot_general3A_3 = tpu.matmul %get3A_1, %broadcast_in_dim3A_2, %dot_general3A {dimension_numbers = #tpu.dot_dimension_numbers<[0], [0], [1], [1], [0, 1, 1, 1], [], []>, transpose_lhs_hint = false} : vector<32x512xf32>, vector<32x1xf32>, vector<512x1xf32> -> vector<512x1xf32>
    %add3A = arith.constant 1.000000e+00 : f32
    %add3A_4 = vector.broadcast %add3A : f32 to vector<512x1xf32>
    %add3A_5 = arith.addf %dot_general3A_3, %add3A_4 : vector<512x1xf32>
    %rsqrt3A = math.rsqrt %add3A_5 : vector<512x1xf32>
    %get3A_6 = arith.constant 0 : index
    %get3A_7 = arith.constant 0 : index
    %get3A_8 = vector.load %arg1[%get3A_6, %get3A_7] : memref<512x128xf32, #tpu.memory_space<vmem>>, vector<512x128xf32>
    %get3A_9 = arith.constant 0 : index
    %get3A_10 = arith.constant 0 : index
    %get3A_11 = vector.load %arg2[%get3A_9, %get3A_10] : memref<128x128xf32, #tpu.memory_space<vmem>>, vector<128x128xf32>
    %dot_general3A_12 = arith.constant dense<0.000000e+00> : vector<512x128xf32>
    %dot_general3A_13 = tpu.matmul %get3A_8, %get3A_11, %dot_general3A_12 {dimension_numbers = #tpu.dot_dimension_numbers<[1], [0], [0], [1], [0, 0, 1, 1], [], []>, transpose_lhs_hint = false} : vector<512x128xf32>, vector<128x128xf32>, vector<512x128xf32> -> vector<512x128xf32>
    %get3A_14 = arith.constant 0 : index
    %get3A_15 = arith.constant 0 : index
    %get3A_16 = vector.load %arg3[%get3A_14, %get3A_15] : memref<1x128xf32, #tpu.memory_space<vmem>>, vector<1x128xf32>
    %add3A_17 = vector.broadcast %get3A_16 : vector<1x128xf32> to vector<512x128xf32>
    %add3A_18 = arith.addf %dot_general3A_13, %add3A_17 : vector<512x128xf32>
    %mul3A = vector.broadcast %rsqrt3A : vector<512x1xf32> to vector<512x128xf32>
    %mul3A_19 = arith.mulf %add3A_18, %mul3A : vector<512x128xf32>
    %swap3A = arith.constant 0 : index
    %swap3A_20 = arith.constant 0 : index
    %swap3A_21 = vector.load %arg5[%swap3A, %swap3A_20] : memref<512x128xf32, #tpu.memory_space<vmem>>, vector<512x128xf32>
    tpu.vector_store %arg5[%swap3A, %swap3A_20], %mul3A_19 {strides = array<i32>} : memref<512x128xf32, #tpu.memory_space<vmem>>, vector<512x128xf32>,
    return
  }
  func.func @transform_0(%arg0: i32) -> (i32, i32) {
    %c0_i32 = arith.constant 0 : i32
    %c0_i32_0 = arith.constant 0 : i32
    return %arg0, %c0_i32 : i32, i32
  }
  func.func @transform_1(%arg0: i32) -> (i32, i32) {
    %c0_i32 = arith.constant 0 : i32
    %c0_i32_0 = arith.constant 0 : i32
    %c0_i32_1 = arith.constant 0 : i32
    return %c0_i32, %c0_i32_0 : i32, i32
  }
  func.func @transform_2(%arg0: i32) -> (i32, i32) {
    %c0_i32 = arith.constant 0 : i32
    %c0_i32_0 = arith.constant 0 : i32
    %c0_i32_1 = arith.constant 0 : i32
    return %c0_i32, %c0_i32_0 : i32, i32
  }
  func.func @transform_3(%arg0: i32) -> (i32, i32) {
    %c0_i32 = arith.constant 0 : i32
    %c0_i32_0 = arith.constant 0 : i32
    return %c0_i32, %arg0 : i32, i32
  }
  func.func @transform_4(%arg0: i32) -> (i32, i32) {
    %c0_i32 = arith.constant 0 : i32
    %c0_i32_0 = arith.constant 0 : i32
    return %arg0, %c0_i32 : i32, i32
  }
}

module attributes {stable_mosaic.version = 14 : i64} {
  func.func @_layer2_body(%arg0: i32, %arg1: memref<512x128xf32, #tpu.memory_space<vmem>>, %arg2: memref<512x128xf32, #tpu.memory_space<vmem>>, %arg3: memref<512x128xf32, #tpu.memory_space<vmem>>, %arg4: memref<32x512xf32, #tpu.memory_space<vmem>>, %arg5: memref<128x128xf32, #tpu.memory_space<vmem>>, %arg6: memref<1x128xf32, #tpu.memory_space<vmem>>, %arg7: memref<512x128xf32, #tpu.memory_space<vmem>>) attributes {dimension_semantics = [#tpu.dimension_semantics<arbitrary>], iteration_bounds = array<i64: 20>, scalar_prefetch = 0 : i64, scratch_operands = 0 : i64, tpu.core_type = #tpu.core_type<tc>, window_params = [{transform_indices = @transform_0, window_bounds = array<i64: 512, 128>}, {transform_indices = @transform_1, window_bounds = array<i64: 512, 128>}, {transform_indices = @transform_2, window_bounds = array<i64: 512, 128>}, {transform_indices = @transform_3, window_bounds = array<i64: 32, 512>}, {pipeline_mode = #tpu.pipeline_mode<synchronous>, transform_indices = @transform_4, window_bounds = array<i64: 128, 128>}, {pipeline_mode = #tpu.pipeline_mode<synchronous>, transform_indices = @transform_5, window_bounds = array<i64: 1, 128>}, {transform_indices = @transform_6, window_bounds = array<i64: 512, 128>}]} {
    %get3A = arith.constant 0 : index
    %get3A_0 = arith.constant 0 : index
    %get3A_1 = vector.load %arg4[%get3A, %get3A_0] : memref<32x512xf32, #tpu.memory_space<vmem>>, vector<32x512xf32>
    %broadcast_in_dim3A = arith.constant 1.000000e+00 : f32
    %broadcast_in_dim3A_2 = vector.broadcast %broadcast_in_dim3A : f32 to vector<32x1xf32>
    %dot_general3A = arith.constant dense<0.000000e+00> : vector<512x1xf32>
    %dot_general3A_3 = tpu.matmul %get3A_1, %broadcast_in_dim3A_2, %dot_general3A {dimension_numbers = #tpu.dot_dimension_numbers<[0], [0], [1], [1], [0, 1, 1, 1], [], []>, transpose_lhs_hint = false} : vector<32x512xf32>, vector<32x1xf32>, vector<512x1xf32> -> vector<512x1xf32>
    %add3A = arith.constant 1.000000e+00 : f32
    %add3A_4 = vector.broadcast %add3A : f32 to vector<512x1xf32>
    %add3A_5 = arith.addf %dot_general3A_3, %add3A_4 : vector<512x1xf32>
    %rsqrt3A = math.rsqrt %add3A_5 : vector<512x1xf32>
    %get3A_6 = arith.constant 0 : index
    %get3A_7 = arith.constant 0 : index
    %get3A_8 = vector.load %arg1[%get3A_6, %get3A_7] : memref<512x128xf32, #tpu.memory_space<vmem>>, vector<512x128xf32>
    %get3A_9 = arith.constant 0 : index
    %get3A_10 = arith.constant 0 : index
    %get3A_11 = vector.load %arg2[%get3A_9, %get3A_10] : memref<512x128xf32, #tpu.memory_space<vmem>>, vector<512x128xf32>
    %add3A_12 = arith.addf %get3A_8, %get3A_11 : vector<512x128xf32>
    %get3A_13 = arith.constant 0 : index
    %get3A_14 = arith.constant 0 : index
    %get3A_15 = vector.load %arg3[%get3A_13, %get3A_14] : memref<512x128xf32, #tpu.memory_space<vmem>>, vector<512x128xf32>
    %add3A_16 = arith.addf %add3A_12, %get3A_15 : vector<512x128xf32>
    %mul3A = vector.broadcast %rsqrt3A : vector<512x1xf32> to vector<512x128xf32>
    %mul3A_17 = arith.mulf %mul3A, %add3A_16 : vector<512x128xf32>
    %max3A = arith.constant 0.000000e+00 : f32
    %max3A_18 = vector.broadcast %max3A : f32 to vector<512x128xf32>
    %max3A_19 = arith.maximumf %mul3A_17, %max3A_18 : vector<512x128xf32>
    %get3A_20 = arith.constant 0 : index
    %get3A_21 = arith.constant 0 : index
    %get3A_22 = vector.load %arg5[%get3A_20, %get3A_21] : memref<128x128xf32, #tpu.memory_space<vmem>>, vector<128x128xf32>
    %dot_general3A_23 = arith.constant dense<0.000000e+00> : vector<512x128xf32>
    %dot_general3A_24 = tpu.matmul %max3A_19, %get3A_22, %dot_general3A_23 {dimension_numbers = #tpu.dot_dimension_numbers<[1], [0], [0], [1], [0, 0, 1, 1], [], []>, transpose_lhs_hint = false} : vector<512x128xf32>, vector<128x128xf32>, vector<512x128xf32> -> vector<512x128xf32>
    %get3A_25 = arith.constant 0 : index
    %get3A_26 = arith.constant 0 : index
    %get3A_27 = vector.load %arg6[%get3A_25, %get3A_26] : memref<1x128xf32, #tpu.memory_space<vmem>>, vector<1x128xf32>
    %add3A_28 = vector.broadcast %get3A_27 : vector<1x128xf32> to vector<512x128xf32>
    %add3A_29 = arith.addf %dot_general3A_24, %add3A_28 : vector<512x128xf32>
    %mul3A_30 = vector.broadcast %rsqrt3A : vector<512x1xf32> to vector<512x128xf32>
    %mul3A_31 = arith.mulf %add3A_29, %mul3A_30 : vector<512x128xf32>
    %swap3A = arith.constant 0 : index
    %swap3A_32 = arith.constant 0 : index
    %swap3A_33 = vector.load %arg7[%swap3A, %swap3A_32] : memref<512x128xf32, #tpu.memory_space<vmem>>, vector<512x128xf32>
    tpu.vector_store %arg7[%swap3A, %swap3A_32], %mul3A_31 {strides = array<i32>} : memref<512x128xf32, #tpu.memory_space<vmem>>, vector<512x128xf32>,
    return
  }
  func.func @transform_0(%arg0: i32) -> (i32, i32) {
    %c0_i32 = arith.constant 0 : i32
    %c0_i32_0 = arith.constant 0 : i32
    return %arg0, %c0_i32 : i32, i32
  }
  func.func @transform_1(%arg0: i32) -> (i32, i32) {
    %c0_i32 = arith.constant 0 : i32
    %c0_i32_0 = arith.constant 0 : i32
    return %arg0, %c0_i32 : i32, i32
  }
  func.func @transform_2(%arg0: i32) -> (i32, i32) {
    %c0_i32 = arith.constant 0 : i32
    %c0_i32_0 = arith.constant 0 : i32
    return %arg0, %c0_i32 : i32, i32
  }
  func.func @transform_3(%arg0: i32) -> (i32, i32) {
    %c0_i32 = arith.constant 0 : i32
    %c0_i32_0 = arith.constant 0 : i32
    return %c0_i32, %arg0 : i32, i32
  }
  func.func @transform_4(%arg0: i32) -> (i32, i32) {
    %c0_i32 = arith.constant 0 : i32
    %c0_i32_0 = arith.constant 0 : i32
    %c0_i32_1 = arith.constant 0 : i32
    return %c0_i32, %c0_i32_0 : i32, i32
  }
  func.func @transform_5(%arg0: i32) -> (i32, i32) {
    %c0_i32 = arith.constant 0 : i32
    %c0_i32_0 = arith.constant 0 : i32
    %c0_i32_1 = arith.constant 0 : i32
    return %c0_i32, %c0_i32_0 : i32, i32
  }
  func.func @transform_6(%arg0: i32) -> (i32, i32) {
    %c0_i32 = arith.constant 0 : i32
    %c0_i32_0 = arith.constant 0 : i32
    return %arg0, %c0_i32 : i32, i32
  }
}

module attributes {stable_mosaic.version = 14 : i64} {
  func.func @_ff_body(%arg0: i32, %arg1: memref<512x128xf32, #tpu.memory_space<vmem>>, %arg2: memref<512x128xf32, #tpu.memory_space<vmem>>, %arg3: memref<512x128xf32, #tpu.memory_space<vmem>>, %arg4: memref<32x512xf32, #tpu.memory_space<vmem>>, %arg5: memref<128x128xf32, #tpu.memory_space<vmem>>, %arg6: memref<1x128xf32, #tpu.memory_space<vmem>>, %arg7: memref<128x128xf32, #tpu.memory_space<vmem>>, %arg8: memref<1x128xf32, #tpu.memory_space<vmem>>, %arg9: memref<128x128xf32, #tpu.memory_space<vmem>>, %arg10: memref<1x128xf32, #tpu.memory_space<vmem>>, %arg11: memref<128x128xf32, #tpu.memory_space<vmem>>, %arg12: memref<1x128xf32, #tpu.memory_space<vmem>>, %arg13: memref<512x128xf32, #tpu.memory_space<vmem>>) attributes {dimension_semantics = [#tpu.dimension_semantics<arbitrary>], iteration_bounds = array<i64: 20>, scalar_prefetch = 0 : i64, scratch_operands = 0 : i64, tpu.core_type = #tpu.core_type<tc>, window_params = [{transform_indices = @transform_0, window_bounds = array<i64: 512, 128>}, {transform_indices = @transform_1, window_bounds = array<i64: 512, 128>}, {transform_indices = @transform_2, window_bounds = array<i64: 512, 128>}, {transform_indices = @transform_3, window_bounds = array<i64: 32, 512>}, {pipeline_mode = #tpu.pipeline_mode<synchronous>, transform_indices = @transform_4, window_bounds = array<i64: 128, 128>}, {pipeline_mode = #tpu.pipeline_mode<synchronous>, transform_indices = @transform_5, window_bounds = array<i64: 1, 128>}, {pipeline_mode = #tpu.pipeline_mode<synchronous>, transform_indices = @transform_6, window_bounds = array<i64: 128, 128>}, {pipeline_mode = #tpu.pipeline_mode<synchronous>, transform_indices = @transform_7, window_bounds = array<i64: 1, 128>}, {pipeline_mode = #tpu.pipeline_mode<synchronous>, transform_indices = @transform_8, window_bounds = array<i64: 128, 128>}, {pipeline_mode = #tpu.pipeline_mode<synchronous>, transform_indices = @transform_9, window_bounds = array<i64: 1, 128>}, {pipeline_mode = #tpu.pipeline_mode<synchronous>, transform_indices = @transform_10, window_bounds = array<i64: 128, 128>}, {pipeline_mode = #tpu.pipeline_mode<synchronous>, transform_indices = @transform_11, window_bounds = array<i64: 1, 128>}, {transform_indices = @transform_12, window_bounds = array<i64: 512, 128>}]} {
    %get3A = arith.constant 0 : index
    %get3A_0 = arith.constant 0 : index
    %get3A_1 = vector.load %arg4[%get3A, %get3A_0] : memref<32x512xf32, #tpu.memory_space<vmem>>, vector<32x512xf32>
    %broadcast_in_dim3A = arith.constant 1.000000e+00 : f32
    %broadcast_in_dim3A_2 = vector.broadcast %broadcast_in_dim3A : f32 to vector<32x1xf32>
    %dot_general3A = arith.constant dense<0.000000e+00> : vector<512x1xf32>
    %dot_general3A_3 = tpu.matmul %get3A_1, %broadcast_in_dim3A_2, %dot_general3A {dimension_numbers = #tpu.dot_dimension_numbers<[0], [0], [1], [1], [0, 1, 1, 1], [], []>, transpose_lhs_hint = false} : vector<32x512xf32>, vector<32x1xf32>, vector<512x1xf32> -> vector<512x1xf32>
    %add3A = arith.constant 1.000000e+00 : f32
    %add3A_4 = vector.broadcast %add3A : f32 to vector<512x1xf32>
    %add3A_5 = arith.addf %dot_general3A_3, %add3A_4 : vector<512x1xf32>
    %rsqrt3A = math.rsqrt %add3A_5 : vector<512x1xf32>
    %get3A_6 = arith.constant 0 : index
    %get3A_7 = arith.constant 0 : index
    %get3A_8 = vector.load %arg1[%get3A_6, %get3A_7] : memref<512x128xf32, #tpu.memory_space<vmem>>, vector<512x128xf32>
    %get3A_9 = arith.constant 0 : index
    %get3A_10 = arith.constant 0 : index
    %get3A_11 = vector.load %arg2[%get3A_9, %get3A_10] : memref<512x128xf32, #tpu.memory_space<vmem>>, vector<512x128xf32>
    %add3A_12 = arith.addf %get3A_8, %get3A_11 : vector<512x128xf32>
    %get3A_13 = arith.constant 0 : index
    %get3A_14 = arith.constant 0 : index
    %get3A_15 = vector.load %arg3[%get3A_13, %get3A_14] : memref<512x128xf32, #tpu.memory_space<vmem>>, vector<512x128xf32>
    %add3A_16 = arith.addf %add3A_12, %get3A_15 : vector<512x128xf32>
    %mul3A = vector.broadcast %rsqrt3A : vector<512x1xf32> to vector<512x128xf32>
    %mul3A_17 = arith.mulf %mul3A, %add3A_16 : vector<512x128xf32>
    %get3A_18 = arith.constant 0 : index
    %get3A_19 = arith.constant 0 : index
    %get3A_20 = vector.load %arg5[%get3A_18, %get3A_19] : memref<128x128xf32, #tpu.memory_space<vmem>>, vector<128x128xf32>
    %dot_general3A_21 = arith.constant dense<0.000000e+00> : vector<512x128xf32>
    %dot_general3A_22 = tpu.matmul %mul3A_17, %get3A_20, %dot_general3A_21 {dimension_numbers = #tpu.dot_dimension_numbers<[1], [0], [0], [1], [0, 0, 1, 1], [], []>, transpose_lhs_hint = false} : vector<512x128xf32>, vector<128x128xf32>, vector<512x128xf32> -> vector<512x128xf32>
    %get3A_23 = arith.constant 0 : index
    %get3A_24 = arith.constant 0 : index
    %get3A_25 = vector.load %arg6[%get3A_23, %get3A_24] : memref<1x128xf32, #tpu.memory_space<vmem>>, vector<1x128xf32>
    %add3A_26 = vector.broadcast %get3A_25 : vector<1x128xf32> to vector<512x128xf32>
    %add3A_27 = arith.addf %dot_general3A_22, %add3A_26 : vector<512x128xf32>
    %max3A = arith.constant 0.000000e+00 : f32
    %max3A_28 = vector.broadcast %max3A : f32 to vector<512x128xf32>
    %max3A_29 = arith.maximumf %add3A_27, %max3A_28 : vector<512x128xf32>
    %get3A_30 = arith.constant 0 : index
    %get3A_31 = arith.constant 0 : index
    %get3A_32 = vector.load %arg7[%get3A_30, %get3A_31] : memref<128x128xf32, #tpu.memory_space<vmem>>, vector<128x128xf32>
    %dot_general3A_33 = arith.constant dense<0.000000e+00> : vector<512x128xf32>
    %dot_general3A_34 = tpu.matmul %max3A_29, %get3A_32, %dot_general3A_33 {dimension_numbers = #tpu.dot_dimension_numbers<[1], [0], [0], [1], [0, 0, 1, 1], [], []>, transpose_lhs_hint = false} : vector<512x128xf32>, vector<128x128xf32>, vector<512x128xf32> -> vector<512x128xf32>
    %get3A_35 = arith.constant 0 : index
    %get3A_36 = arith.constant 0 : index
    %get3A_37 = vector.load %arg8[%get3A_35, %get3A_36] : memref<1x128xf32, #tpu.memory_space<vmem>>, vector<1x128xf32>
    %add3A_38 = vector.broadcast %get3A_37 : vector<1x128xf32> to vector<512x128xf32>
    %add3A_39 = arith.addf %dot_general3A_34, %add3A_38 : vector<512x128xf32>
    %max3A_40 = arith.constant 0.000000e+00 : f32
    %max3A_41 = vector.broadcast %max3A_40 : f32 to vector<512x128xf32>
    %max3A_42 = arith.maximumf %add3A_39, %max3A_41 : vector<512x128xf32>
    %get3A_43 = arith.constant 0 : index
    %get3A_44 = arith.constant 0 : index
    %get3A_45 = vector.load %arg9[%get3A_43, %get3A_44] : memref<128x128xf32, #tpu.memory_space<vmem>>, vector<128x128xf32>
    %dot_general3A_46 = arith.constant dense<0.000000e+00> : vector<512x128xf32>
    %dot_general3A_47 = tpu.matmul %max3A_42, %get3A_45, %dot_general3A_46 {dimension_numbers = #tpu.dot_dimension_numbers<[1], [0], [0], [1], [0, 0, 1, 1], [], []>, transpose_lhs_hint = false} : vector<512x128xf32>, vector<128x128xf32>, vector<512x128xf32> -> vector<512x128xf32>
    %get3A_48 = arith.constant 0 : index
    %get3A_49 = arith.constant 0 : index
    %get3A_50 = vector.load %arg10[%get3A_48, %get3A_49] : memref<1x128xf32, #tpu.memory_space<vmem>>, vector<1x128xf32>
    %add3A_51 = vector.broadcast %get3A_50 : vector<1x128xf32> to vector<512x128xf32>
    %add3A_52 = arith.addf %dot_general3A_47, %add3A_51 : vector<512x128xf32>
    %max3A_53 = arith.constant 0.000000e+00 : f32
    %max3A_54 = vector.broadcast %max3A_53 : f32 to vector<512x128xf32>
    %max3A_55 = arith.maximumf %add3A_52, %max3A_54 : vector<512x128xf32>
    %get3A_56 = arith.constant 0 : index
    %get3A_57 = arith.constant 0 : index
    %get3A_58 = vector.load %arg11[%get3A_56, %get3A_57] : memref<128x128xf32, #tpu.memory_space<vmem>>, vector<128x128xf32>
    %dot_general3A_59 = arith.constant dense<0.000000e+00> : vector<512x128xf32>
    %dot_general3A_60 = tpu.matmul %mul3A_17, %get3A_58, %dot_general3A_59 {dimension_numbers = #tpu.dot_dimension_numbers<[1], [0], [0], [1], [0, 0, 1, 1], [], []>, transpose_lhs_hint = false} : vector<512x128xf32>, vector<128x128xf32>, vector<512x128xf32> -> vector<512x128xf32>
    %add3A_61 = arith.addf %max3A_55, %dot_general3A_60 : vector<512x128xf32>
    %get3A_62 = arith.constant 0 : index
    %get3A_63 = arith.constant 0 : index
    %get3A_64 = vector.load %arg12[%get3A_62, %get3A_63] : memref<1x128xf32, #tpu.memory_space<vmem>>, vector<1x128xf32>
    %add3A_65 = vector.broadcast %get3A_64 : vector<1x128xf32> to vector<512x128xf32>
    %add3A_66 = arith.addf %add3A_61, %add3A_65 : vector<512x128xf32>
    %swap3A = arith.constant 0 : index
    %swap3A_67 = arith.constant 0 : index
    %swap3A_68 = vector.load %arg13[%swap3A, %swap3A_67] : memref<512x128xf32, #tpu.memory_space<vmem>>, vector<512x128xf32>
    tpu.vector_store %arg13[%swap3A, %swap3A_67], %add3A_66 {strides = array<i32>} : memref<512x128xf32, #tpu.memory_space<vmem>>, vector<512x128xf32>,
    return
  }
  func.func @transform_0(%arg0: i32) -> (i32, i32) {
    %c0_i32 = arith.constant 0 : i32
    %c0_i32_0 = arith.constant 0 : i32
    return %arg0, %c0_i32 : i32, i32
  }
  func.func @transform_1(%arg0: i32) -> (i32, i32) {
    %c0_i32 = arith.constant 0 : i32
    %c0_i32_0 = arith.constant 0 : i32
    return %arg0, %c0_i32 : i32, i32
  }
  func.func @transform_2(%arg0: i32) -> (i32, i32) {
    %c0_i32 = arith.constant 0 : i32
    %c0_i32_0 = arith.constant 0 : i32
    return %arg0, %c0_i32 : i32, i32
  }
  func.func @transform_3(%arg0: i32) -> (i32, i32) {
    %c0_i32 = arith.constant 0 : i32
    %c0_i32_0 = arith.constant 0 : i32
    return %c0_i32, %arg0 : i32, i32
  }
  func.func @transform_4(%arg0: i32) -> (i32, i32) {
    %c0_i32 = arith.constant 0 : i32
    %c0_i32_0 = arith.constant 0 : i32
    %c0_i32_1 = arith.constant 0 : i32
    return %c0_i32, %c0_i32_0 : i32, i32
  }
  func.func @transform_5(%arg0: i32) -> (i32, i32) {
    %c0_i32 = arith.constant 0 : i32
    %c0_i32_0 = arith.constant 0 : i32
    %c0_i32_1 = arith.constant 0 : i32
    return %c0_i32, %c0_i32_0 : i32, i32
  }
  func.func @transform_6(%arg0: i32) -> (i32, i32) {
    %c0_i32 = arith.constant 0 : i32
    %c0_i32_0 = arith.constant 0 : i32
    %c0_i32_1 = arith.constant 0 : i32
    return %c0_i32, %c0_i32_0 : i32, i32
  }
  func.func @transform_7(%arg0: i32) -> (i32, i32) {
    %c0_i32 = arith.constant 0 : i32
    %c0_i32_0 = arith.constant 0 : i32
    %c0_i32_1 = arith.constant 0 : i32
    return %c0_i32, %c0_i32_0 : i32, i32
  }
  func.func @transform_8(%arg0: i32) -> (i32, i32) {
    %c0_i32 = arith.constant 0 : i32
    %c0_i32_0 = arith.constant 0 : i32
    %c0_i32_1 = arith.constant 0 : i32
    return %c0_i32, %c0_i32_0 : i32, i32
  }
  func.func @transform_9(%arg0: i32) -> (i32, i32) {
    %c0_i32 = arith.constant 0 : i32
    %c0_i32_0 = arith.constant 0 : i32
    %c0_i32_1 = arith.constant 0 : i32
    return %c0_i32, %c0_i32_0 : i32, i32
  }
  func.func @transform_10(%arg0: i32) -> (i32, i32) {
    %c0_i32 = arith.constant 0 : i32
    %c0_i32_0 = arith.constant 0 : i32
    %c0_i32_1 = arith.constant 0 : i32
    return %c0_i32, %c0_i32_0 : i32, i32
  }
  func.func @transform_11(%arg0: i32) -> (i32, i32) {
    %c0_i32 = arith.constant 0 : i32
    %c0_i32_0 = arith.constant 0 : i32
    %c0_i32_1 = arith.constant 0 : i32
    return %c0_i32, %c0_i32_0 : i32, i32
  }
  func.func @transform_12(%arg0: i32) -> (i32, i32) {
    %c0_i32 = arith.constant 0 : i32
    %c0_i32_0 = arith.constant 0 : i32
    return %arg0, %c0_i32 : i32, i32
  }
}

</mosaic_0001>

<sc_bundles>
// kernel: kernel.11.cloned.1.call-start
scs
__scs_entry_jumppad:
0x0: {  	(pc) =	sbr.rel $0x88, $3  }
0x1: {  	(tag) =	ssettag $0x0;
	lr =	simm.s32 $0x1  }
0x2: {  	[smem:$0x3F93] =	sst lr;
	_ =	strace $0xD0000000  }
0x3: {  	_ = 	snop  }
0x4: {  	_ = 	snop  }
0x5: {  	_ = 	snop  }
0x6: {  	_ = 	snop  }
0x7: {  	_ = 	snop  }
__scs_overlays_trampoline_lowered:
0x8: {  	[smem:$0x3FA2] =	sst s0  }
0x9: {  	[smem:$0x3FA3] =	sst s1  }
0xa: {  	[smem:$0x3FA4] =	sst s2  }
0xb: {  	[smem:$0x3FA5] =	sst s3  }
0xc: {  	[smem:$0x3FA6] =	sst s4  }
0xd: {  	[smem:$0x3FA7] =	sst s5  }
0xe: {  	[smem:$0x3FA8] =	sst s6  }
0xf: {  	[smem:$0x3FA9] =	sst s7  }
0x10: {  	[smem:$0x3FAA] =	sst s8  }
0x11: {  	[smem:$0x3FAB] =	sst s9;
	s0 =	simm.s32 @!p0 $0x0  }
0x12: {  	s1 =	sld [smem:$0x3F91];
	s0 =	simm.s32 @p0 $0x1  }
0x13: {  	[smem:$0x3FAC] =	sst s0;
	s0 =	simm.s32 @!p1 $0x0  }
0x14: {  	s2 =	sld [smem:$0x3F90];
	s0 =	simm.s32 @p1 $0x1  }
0x15: {  	[smem:$0x3FAD] =	sst s0;
	s0 =	simm.s32 @!p2 $0x0  }
0x16: {  	s3 =	sld [smem:$0x3FDB];
	s0 =	simm.s32 @p2 $0x1  }
0x17: {  	s4 =	simm.s32 $0x1BF5;
	[smem:$0x3FAF] =	sst s0  }
0x18: {  	s0 =	sld [smem:$0x3F92];
	_ =	swait.ge [sflag:s4], $0x0  }
0x19: {  	s7 =	sld [smem:$0x3F93]  }
0x1a: {  	s8 =	sadd.s32 $0xFFFFE003, lr  }
0x1b: {  	s9 =	sadd.s32 $0xFFFFFEF7, lr;
	s5 =	simm.s32 $0xFFFFFFFF;
	p2 =	slt.u32 s8, $0xFFFFF086  }
0x1c: {  	p1 =	slt.u32 s9, $0xF7A;
	s5 =	simm.s32 @!p2 $0x0  }
0x1d: {  	s5 =	simm.s32 @p1 $0x1;
	p0 =	seq.s32 s7, s2  }
0x1e: {  	s7 =	smul.u32 @!p0 $0xF7A, s2;
	p2 =	seq.s32 @!p0 s5, $0x0  }
0x1f: {  	s9 =	smul.u32 $0xF7A, s1;
	s8 =	simm.s32 @!p0 $0x1BF5;
	p2 =	por !p2, p0  }
0x20: {  	[sflag:s8] =	ssyncset.s32 @!p0 $0xFFFFF086;
	s6 =	sadd.s32 @!p0 s3, s7;
	s7 =	simm.s32 @!p0 $0x108  }
0x21: {  	s3 =	sadd.s32 s3, s9;
	s6 =	sadd.s32 @!p0 $0x88, s6;
	s7 =	simm.s32 @p2 $0x1082  }
0x22: {  	[simem:s7], [sflag:s8] =	dma.local @!p0 [hbm:s6], $0xF7A  }
0x23: {  	s9 =	sor.u32 $0xD0000000, s2;
	s6 =	simm.s32 $0x108;
	_ =	swait.ge @!p0 [sflag:s8], $0x0  }
0x24: {  	s3 =	sadd.s32 $0x88, s3;
	s6 =	simm.s32 @!p1 $0x1082;
	[sflag:s4] =	ssyncset.s32 $0xFFFFF086  }
0x25: {  	[simem:s6], [sflag:s4] =	dma.local [hbm:s3], $0xF7A  }
0x26: {  	[smem:$0x3F93] =	sst s1;
	(tag) =	ssettag s2;
	_ =	strace s9  }
0x27: {  	s1 =	sld [smem:$0x3FA3]  }
0x28: {  	s2 =	sld [smem:$0x3FA4]  }
0x29: {  	s4 =	sld [smem:$0x3FA6]  }
0x2a: {  	p0 =	seq.s32 s5, $0x0;
	s5 =	sld [smem:$0x3FA7]  }
0x2b: {  	s6 =	sld [smem:$0x3FA8]  }
0x2c: {  	s7 =	sld [smem:$0x3FA9]  }
0x2d: {  	s3 =	simm.s32 $0x108;
	s8 =	sld [smem:$0x3FAA]  }
0x2e: {  	s3 =	simm.s32 @!p0 $0x1082;
	s9 =	sld [smem:$0x3FAB]  }
0x2f: {  	lr =	sadd.s32 s0, s3;
	s0 =	sld [smem:$0x3FA2]  }
0x30: {  	s3 =	sld [smem:$0x3FA5]  }
0x31: {  	[smem:$0x3FAE] =	sst s10  }
0x32: {  	s10 =	sld [smem:$0x3FAC];
	_ =	sdelay $0x3  }
0x33: {  	p0 =	seq.s32 s10, $0x1;
	s10 =	sld [smem:$0x3FAE];
	_ =	sdelay $0x3  }
0x34: {  	[smem:$0x3FAE] =	sst s10  }
0x35: {  	s10 =	sld [smem:$0x3FAD];
	_ =	sdelay $0x3  }
0x36: {  	p1 =	seq.s32 s10, $0x1;
	s10 =	sld [smem:$0x3FAE];
	_ =	sdelay $0x3  }
0x37: {  	[smem:$0x3FAE] =	sst s10  }
0x38: {  	s10 =	sld [smem:$0x3FAF]  }
0x39: {  	_ = 	snop;
	(pc) =	sbr.ind lr, $3  }
0x3a: {  	_ = 	snop  }
0x3b: {  	_ = 	snop  }
0x3c: {  	p2 =	seq.s32 s10, $0x1;
	s10 =	sld [smem:$0x3FAE]  }
0x3d: {  	_ =	shalt  }
0x3e: {  	_ =	shalt  }
0x3f: {  	_ =	shalt  }
0x40: {  	_ =	shalt  }
0x41: {  	_ =	shalt  }
0x42: {  	_ =	shalt  }
0x43: {  	_ =	shalt  }
0x44: {  	_ =	shalt  }
0x45: {  	_ =	shalt  }
0x46: {  	_ =	shalt  }
0x47: {  	_ =	shalt  }
0x48: {  	_ =	shalt  }
0x49: {  	_ =	shalt  }
0x4a: {  	_ =	shalt  }
0x4b: {  	_ =	shalt  }
0x4c: {  	_ =	shalt  }
0x4d: {  	_ =	shalt  }
0x4e: {  	_ =	shalt  }
0x4f: {  	_ =	shalt  }
0x50: {  	_ =	shalt  }
0x51: {  	_ =	shalt  }
0x52: {  	_ =	shalt  }
0x53: {  	_ =	shalt  }
0x54: {  	_ =	shalt  }
0x55: {  	_ =	shalt  }
0x56: {  	_ =	shalt  }
0x57: {  	_ =	shalt  }
0x58: {  	_ =	shalt  }
0x59: {  	_ =	shalt  }
0x5a: {  	_ =	shalt  }
0x5b: {  	_ =	shalt  }
0x5c: {  	_ =	shalt  }
0x5d: {  	_ =	shalt  }
0x5e: {  	_ =	shalt  }
0x5f: {  	_ =	shalt  }
0x60: {  	_ =	shalt  }
0x61: {  	_ =	shalt  }
0x62: {  	_ =	shalt  }
0x63: {  	_ =	shalt  }
0x64: {  	_ =	shalt  }
0x65: {  	_ =	shalt  }
0x66: {  	_ =	shalt  }
0x67: {  	_ =	shalt  }
0x68: {  	_ =	shalt  }
0x69: {  	_ =	shalt  }
0x6a: {  	_ =	shalt  }
0x6b: {  	_ =	shalt  }
0x6c: {  	_ =	shalt  }
0x6d: {  	_ =	shalt  }
0x6e: {  	_ =	shalt  }
0x6f: {  	_ =	shalt  }
0x70: {  	_ =	shalt  }
0x71: {  	_ =	shalt  }
0x72: {  	_ =	shalt  }
0x73: {  	_ =	shalt  }
0x74: {  	_ =	shalt  }
0x75: {  	_ =	shalt  }
0x76: {  	_ =	shalt  }
0x77: {  	_ =	shalt  }
0x78: {  	_ =	shalt  }
0x79: {  	_ =	shalt  }
0x7a: {  	_ =	shalt  }
0x7b: {  	_ =	shalt  }
0x7c: {  	_ =	shalt  }
0x7d: {  	_ =	shalt  }
0x7e: {  	_ =	shalt  }
0x7f: {  	_ =	shalt  }
0x80: {  	_ =	shalt  }
0x81: {  	_ =	shalt  }
0x82: {  	_ =	shalt  }
0x83: {  	_ =	shalt  }
0x84: {  	_ =	shalt  }
0x85: {  	_ =	shalt  }
0x86: {  	_ =	shalt  }
0x87: {  	_ =	shalt  }
.Lfunc_end0:
.L_simem_size_0:
called_computation.1_lowered:
.L_overlay_start_0:
0x88: {  	s2 =	sld [smem:$0x3FD9]  }
0x89: {  	s3 =	sld [smem:$0x3FFE];
	_ =	sdelay $0x1  }
0x8a: {  	s1 =	srdreg.scid  }
0x8b: {  	s0 =	sand.u32 $0x1, s1  }
0x8c: {  	s17 =	sshll.u32 s0, $0xA;
	s2 =	sadd.s32 s3, s2  }
0x8d: {  	s2 =	sadd.s32 s2, s17  }
0x8e: {  	[smem:$0x3FBA] =	sst s2  }
0x8f: {  	_ = 	snop  }
0x90: {  	s2 =	sld [smem:$0x3FD0];
	(tm) =	ssettm $0x1  }
0x91: {  	s18 =	sld [smem:$0x3FFB];
	_ =	sdelay $0x3  }
0x92: {  	_ =	strace s18  }
0x93: {  	s3 =	sld [smem:$0x3FFC];
	_ =	sdelay $0x3  }
0x94: {  	_ =	strace s3  }
0x95: {  	s3 =	sld [smem:$0x3FFD];
	_ =	sdelay $0x3  }
0x96: {  	_ =	strace s3  }
0x97: {  	_ =	strace $0x8FFFFFFF  }
0x98: {  	s19 =	sld [smem:$0x3FDB];
	_ =	sdelay $0x1  }
0x99: {  	s4 =	simm.s32 $_scs_section_size  }
0x9a: {  	s5 =	simm.s32 $_size__tile_overlayer_lowered;
	s6 =	simm.s32 $_tile_overlayer_lowered  }
0x9b: {  	s22 =	simm.s32 $0x1BFF;
	s21 =	sshll.u32 s6, $0x1;
	s3 =	sadd.s32 s4, s19  }
0x9c: {  	s7 =	simm.s32 $0x0;
	s20 =	sshll.u32 s5, $0x1;
	s5 =	sadd.s32 s21, s3  }
0x9d: {  	[timem:s7], [sflag:s22] =	dma.local [hbm:s5], s20  }
0x9e: {  	_ =	swait.ge [sflag:s22], s20  }
0x9f: {  	s4 =	ssub.s32 $0x0, s20;
	[sflag:s22] =	ssyncset.done $0x0  }
0xa0: {  	[sflag:s22] =	ssyncadd.s32 s4;
	_ =	sdelay $0x1  }
0xa1: {  	s23 =	simm.s32 $0x1B8B  }
0xa2: {  	_ =	swait.ge [sflag:s23], $0x1  }
0xa3: {  	[sflag:s23] =	ssyncset.done $0x0  }
0xa4: {  	s25 =	simm.s32 $0x1B8E;
	s24 =	sld [smem:$0x3FFE];
	[sflag:s23] =	ssyncadd.s32 $0xFFFFFFFF  }
0xa5: {  	s26 =	simm.s32 $execute0_lowered;
	[smem:$0x3FD2] =	sst s25  }
0xa6: {  	s5 =	sshll.u32 s26, $0x1;
	_ =	strace $0x80000049;
	[dreg:$0x1] =	wrdreg $0xFFFFFFFF  }
0xa7: {  	s28 =	simm.s32 $_size_execute0_lowered;
	s3 =	sadd.s32 s3, s5;
	[dreg:$0x0] =	wrdreg $0x0  }
0xa8: {  	s5 =	sshll.u32 s28, $0x1;
	[dreg:$0x2] =	wrdreg s3  }
0xa9: {  	[dreg:$0x3] =	wrdreg s5  }
0xaa: {  	[dreg:$0x4] =	wrdreg $0xC0  }
0xab: {  	_ =	task [dreg:s7], $0x5FFFF  }
0xac: {  	[dreg:$0x1] =	wrdreg $0xFFFFFFFF  }
0xad: {  	[dreg:$0x0] =	wrdreg $0x60  }
0xae: {  	[dreg:$0x2] =	wrdreg s24  }
0xaf: {  	[dreg:$0x3] =	wrdreg s2  }
0xb0: {  	[dreg:$0x4] =	wrdreg $0xA8000  }
0xb1: {  	[dreg:$0x5] =	wrdreg $0x9  }
0xb2: {  	_ =	task.clear_ibuf [dreg:s7], $0x6FFFF;
	_ =	strace $0x90000049  }
0xb3: {  	s29 =	simm.s32 $0x9;
	_ =	strace $0x8000004B  }
0xb4: {  	_ =	swait.ge [sflag:s29], $0x1  }
0xb5: {  	[sflag:s29] =	ssyncadd.s32 $0xFFFFFFFF  }
0xb6: {  	_ =	strace $0x9000004B  }
0xb7: {  	_ =	sfence  }
0xb8: {  	s30 =	sld [smem:$0x0];
	_ =	sdelay $0x2  }
0xb9: {  	s31 =	sshll.u32 s1, $0xD;
	s1 =	sshrl.u32 s1, $0x2  }
0xba: {  	s3 =	sand.u32 $0x4000, s31;
	s1 =	sadd.s32 s1, s30  }
0xbb: {  	s0 =	sor.u32 s3, s0;
	s1 =	sshll.u32 s1, $0x11  }
0xbc: {  	s0 =	sor.u32 s1, s0  }
0xbd: {  	s0 =	sadd.s32 $0x8F2B, s0  }
0xbe: {  	[sflag:s0] =	ssyncadd.remote.s32 $0x1  }
0xbf: {  	_ =	sfence.sel $0xFFFF  }
0xc0: {  	[dreg:$0x0] =	wrdreg $0xFFFFFFFF;
	(pc) =	sbr.abs _section_cstart, $3  }
0xc1: {  	[dreg:$0x1] =	wrdreg $0xFFFFFFFF  }
0xc2: {  	_ =	task.clear_ibuf [dreg:s7], $0x2FFFF;
	_ =	strace $0x9FFFFFFF  }
0xc3: {  	(tm) =	ssettm $0x7FFFFFFF  }
tec
execute0_lowered:
.L_overlay_start_1:
0x0: {  	(tag) =	ssettag $0x1  }
0x1: {  	s8 =	rddreg [dreg:$0x0]  }
0x2: {  	s1 =	rddreg [dreg:$0x1]  }
0x3: {  	s2 =	rddreg [dreg:$0x2];
	s3 =	srdreg.scid  }
0x4: {  	s0 =	rddreg [dreg:$0x3];
	s4 =	simm.s32 $0x0;
	s15 =	simm.s32 $0x80  }
0x5: {  	s16 =	simm.s32 $0x2800;
	s17 =	simm.s32 $0x6800;
	s18 =	simm.s32 $0x1  }
0x6: {  	s19 =	simm.s32 $0x2;
	s21 =	simm.s32 $0x2700;
	s22 =	simm.s32 $0x2780  }
0x7: {  	s20 =	sand.u32 $0x1, s3;
	s3 =	stileid.u32;
	[smem:$0x7FF] =	sst s4  }
0x8: {  	s5 =	sadd.s32 $0x1CC00, s8;
	s6 =	sadd.s32 $0xDC00, s8;
	s7 =	smul.u32 $0x140000, s20  }
0x9: {  	s9 =	smul.u32 $0x14000, s3;
	_ =	strace $0x8000004A;
	s28 =	ssub.s32 $0x2, s20  }
0xa: {  	s12 =	smul.u32 $0x50000, s3;
	s29 =	sshll.u32 s3, $0x1;
	s31 =	sshll.u32 s3, $0x6  }
0xb: {  	p0 =	sne.s32 s20, $0x0;
	s11 =	sshrl.u32 s28, $0x1;
	s13 =	sor.u32 s20, s29  }
0xc: {  	s20 =	simm.s32 $0x1380;
	s7 =	sadd.s32 s9, s7;
	s11 =	ssub.s32 s28, s11  }
0xd: {  	s30 =	sshrl.u32 s12, $0x2;
	s9 =	smul.u32 $0x3C00, s13;
	s13 =	simm.s32 $0x3  }
0xe: {  	s10 =	sshrl.u32 s7, $0x3;
	s7 =	sadd.s32 $0x3C00, s8;
	s14 =	sadd.s32 s30, s2  }
0xf: {  	s11 =	smax.u32 s11, $0x1;
	s10 =	sadd.s32 s10, s8;
	s8 =	sor.u32 $0x1C03, s31  }
0x10: {  	s12 =	sshrl.u32 s14, $0x3;
	s14 =	simm.s32 $0x1400;
	s10 =	sadd.s32 $0x44C00, s10  }
.LBB2_1:
0x11: {  	[spmem:s12], [sflag:s8] =	dma.local [hbm:s7], $0x2800  }
0x12: {  	_ =	swait.ge [sflag:s13], $0x2800  }
0x13: {  	[sflag:s13] =	ssyncset.done $0x0  }
0x14: {  	[sflag:s13] =	ssyncadd.s32 $0xFFFFD800  }
0x15: {  	s23 =	simm.s32 $0x0;
	[bflag:$0x0] =	sbarrier.arrive $0xFFFF  }
.LBB2_2:
0x16: {  	s24 =	smul.u32 $0x1400, s23;
	_ =	sdelay $0x1  }
0x17: {  	s24 =	sadd.s32 s9, s24  }
0x18: {  	s24 =	sshrl.u32 s24, $0x3  }
0x19: {  	s26 =	simm.s32 $0x0;
	s25 =	sadd.s32 s6, s24  }
0x1a: {  	[tilespmem:s26], [sflag:$0x3] =	stream.linear.gather [hbm4b:s25+s26], $0x1400, $0x38;
	[tilespmem:$0x1E800] =	vst v63  }
0x1b: {  	_ =	swait.ge [sflag:s13], $0x1400  }
0x1c: {  	[sflag:s13] =	ssyncset.done $0x0  }
0x1d: {  	s24 =	sadd.s32 s1, s24;
	[sflag:s13] =	ssyncadd.s32 $0xFFFFEC00  }
0x1e: {  	[tilespmem:s14], [sflag:$0x3] =	stream.linear.gather [hbm4b:s24+s26], $0x1400, $0x38;
	[tilespmem:$0x1E800] =	vst v63  }
0x1f: {  	_ =	swait.ge [sflag:s13], $0x1400  }
0x20: {  	[sflag:s13] =	ssyncset.done $0x0  }
0x21: {  	[sflag:s13] =	ssyncadd.s32 $0xFFFFEC00  }
0x22: {  	[tilespmem:s16], [sflag:$0x1] =	stream.indirect.gather [hbm4b:s5+s15], $0x80, s26, s15, $0xb8;
	[tilespmem:$0x1E800] =	vst v63  }
0x23: {  	s28 =	simm.s32 $0x80  }
0x24: {  	[tilespmem:s17], [sflag:$0x2] =	stream.indirect.gather [hbm4b:s5+s15], $0x80, s28, s15, $0xb8;
	[tilespmem:$0x1E800] =	vst v63  }
0x25: {  	_ =	swait.ge [sflag:s18], $0x4000  }
0x26: {  	[sflag:s18] =	ssyncset.done $0x0  }
0x27: {  	s29 =	simm.s32 $0x1400;
	[sflag:s18] =	ssyncadd.s32 $0xFFFFC000  }
0x28: {  	[spmem:s2] =	stream.indirect.scatter.add.f32 [tilespmem:s16], [sflag:$0x3], $0x80, s29, s15, $0xb8;
	[tilespmem:$0x1E800] =	vst v63  }
0x29: {  	_ =	swait.ge [sflag:s13], $0x4000  }
0x2a: {  	[sflag:s13] =	ssyncset.done $0x0  }
0x2b: {  	s30 =	simm.s32 $0x100;
	[sflag:s13] =	ssyncadd.s32 $0xFFFFC000  }
0x2c: {  	[tilespmem:s16], [sflag:$0x1] =	stream.indirect.gather [hbm4b:s5+s15], $0x80, s30, s15, $0xb8;
	[tilespmem:$0x1E800] =	vst v63  }
0x2d: {  	_ =	swait.ge [sflag:s19], $0x4000  }
0x2e: {  	[sflag:s19] =	ssyncset.done $0x0  }
0x2f: {  	s31 =	simm.s32 $0x1480;
	[sflag:s19] =	ssyncadd.s32 $0xFFFFC000  }
0x30: {  	[spmem:s2] =	stream.indirect.scatter.add.f32 [tilespmem:s17], [sflag:$0x3], $0x80, s31, s15, $0xb8;
	[tilespmem:$0x1E800] =	vst v63  }
0x31: {  	_ =	swait.ge [sflag:s13], $0x4000  }
0x32: {  	s25 =	simm.s32 $0x800;
	s24 =	simm.s32 $0x100;
	[sflag:s13] =	ssyncset.done $0x0  }
.LBB2_3:
0x33: {  	s26 =	sadd.s32 $0x80, s24  }
0x34: {  	[sflag:s13] =	ssyncadd.s32 $0xFFFFC000;
	s28 =	smov.u32 s25;
	s29 =	sadd.s32 $0x400, s25  }
0x35: {  	[tilespmem:s17], [sflag:$0x2] =	stream.indirect.gather [hbm4b:s5+s15], $0x80, s26, s15, $0xb8;
	[tilespmem:$0x1E800] =	vst v63  }
0x36: {  	p1 =	sne.s32 s25, $0x4800;
	_ =	swait.ge [sflag:s18], $0x4000  }
0x37: {  	[sflag:s18] =	ssyncset.done $0x0  }
0x38: {  	s25 =	sadd.s32 $0x1400, s24;
	[sflag:s18] =	ssyncadd.s32 $0xFFFFC000  }
0x39: {  	[spmem:s2] =	stream.indirect.scatter.add.f32 [tilespmem:s16], [sflag:$0x3], $0x80, s25, s15, $0xb8;
	[tilespmem:$0x1E800] =	vst v63  }
0x3a: {  	_ =	swait.ge [sflag:s13], $0x4000  }
0x3b: {  	[sflag:s13] =	ssyncset.done $0x0  }
0x3c: {  	s25 =	sadd.s32 $0x100, s24;
	[sflag:s13] =	ssyncadd.s32 $0xFFFFC000  }
0x3d: {  	[tilespmem:s16], [sflag:$0x1] =	stream.indirect.gather [hbm4b:s5+s15], $0x80, s25, s15, $0xb8;
	[tilespmem:$0x1E800] =	vst v63  }
0x3e: {  	_ =	swait.ge [sflag:s19], $0x4000  }
.Ltmp0:
0x3f: {  	[sflag:s19] =	ssyncset.done $0x0;
	(pc) =	sbr.rel @p1 .LBB2_3-.Ltmp0, $4  }
0x40: {  	s24 =	sadd.s32 $0x1480, s24;
	[sflag:s19] =	ssyncadd.s32 $0xFFFFC000  }
0x41: {  	[spmem:s2] =	stream.indirect.scatter.add.f32 [tilespmem:s17], [sflag:$0x3], $0x80, s24, s15, $0xb8;
	[tilespmem:$0x1E800] =	vst v63  }
0x42: {  	_ =	swait.ge [sflag:s13], $0x4000  }
0x43: {  	s25 =	smov.u32 s29;
	s24 =	sshra.s32 s28, $0x2;
	[sflag:s13] =	ssyncset.done $0x0  }
0x44: {  	s25 =	sadd.s32 $0x80, s24;
	[sflag:s13] =	ssyncadd.s32 $0xFFFFC000  }
0x45: {  	[tilespmem:s17], [sflag:$0x2] =	stream.indirect.gather [hbm4b:s5+s15], $0x80, s25, s15, $0xb8;
	[tilespmem:$0x1E800] =	vst v63  }
0x46: {  	_ =	swait.ge [sflag:s18], $0x4000  }
0x47: {  	[sflag:s18] =	ssyncset.done $0x0  }
0x48: {  	s29 =	sadd.s32 $0x1400, s24;
	[sflag:s18] =	ssyncadd.s32 $0xFFFFC000  }
0x49: {  	[spmem:s2] =	stream.indirect.scatter.add.f32 [tilespmem:s16], [sflag:$0x3], $0x80, s29, s15, $0xb8;
	[tilespmem:$0x1E800] =	vst v63  }
0x4a: {  	_ =	swait.ge [sflag:s13], $0x4000  }
0x4b: {  	[sflag:s13] =	ssyncset.done $0x0  }
0x4c: {  	s30 =	sadd.s32 $0x100, s24;
	[sflag:s13] =	ssyncadd.s32 $0xFFFFC000  }
0x4d: {  	[tilespmem:s16], [sflag:$0x1] =	stream.indirect.gather [hbm4b:s5+s15], $0x80, s30, s15, $0xb8;
	[tilespmem:$0x1E800] =	vst v63  }
0x4e: {  	_ =	swait.ge [sflag:s19], $0x4000  }
0x4f: {  	[sflag:s19] =	ssyncset.done $0x0  }
0x50: {  	s31 =	sadd.s32 $0x1480, s24;
	[sflag:s19] =	ssyncadd.s32 $0xFFFFC000  }
0x51: {  	[spmem:s2] =	stream.indirect.scatter.add.f32 [tilespmem:s17], [sflag:$0x3], $0x80, s31, s15, $0xb8;
	[tilespmem:$0x1E800] =	vst v63  }
0x52: {  	_ =	swait.ge [sflag:s13], $0x4000  }
0x53: {  	[sflag:s13] =	ssyncset.done $0x0  }
0x54: {  	[sflag:s13] =	ssyncadd.s32 $0xFFFFC000  }
0x55: {  	[tilespmem:s17], [sflag:$0x2] =	stream.indirect.gather [hbm4b:s5+s15], $0x80, s20, s15, $0xb8;
	[tilespmem:$0x1E800] =	vst v63  }
0x56: {  	_ =	swait.ge [sflag:s18], $0x4000  }
0x57: {  	[sflag:s18] =	ssyncset.done $0x0  }
0x58: {  	[sflag:s18] =	ssyncadd.s32 $0xFFFFC000  }
0x59: {  	[spmem:s2] =	stream.indirect.scatter.add.f32 [tilespmem:s16], [sflag:$0x3], $0x80, s21, s15, $0xb8;
	[tilespmem:$0x1E800] =	vst v63  }
0x5a: {  	_ =	swait.ge [sflag:s13], $0x4000  }
0x5b: {  	[sflag:s13] =	ssyncset.done $0x0  }
0x5c: {  	[sflag:s13] =	ssyncadd.s32 $0xFFFFC000  }
0x5d: {  	p1 =	slt.u32 @!p0 s23, $0x2;
	_ =	swait.ge [sflag:s19], $0x4000  }
0x5e: {  	p1 =	por p0, !p1;
	[sflag:s19] =	ssyncset.done $0x0  }
.Ltmp1:
0x5f: {  	[sflag:s19] =	ssyncadd.s32 $0xFFFFC000;
	(pc) =	sbr.rel @!p1 .LBB2_2-.Ltmp1, $4  }
0x60: {  	[spmem:s2] =	stream.indirect.scatter.add.f32 [tilespmem:s17], [sflag:$0x3], $0x80, s22, s15, $0xb8;
	[tilespmem:$0x1E800] =	vst v63  }
0x61: {  	_ =	swait.ge [sflag:s13], $0x4000  }
0x62: {  	[sflag:s13] =	ssyncset.done $0x0  }
0x63: {  	s23 =	sadd.s32 $0x1, s23;
	[sflag:s13] =	ssyncadd.s32 $0xFFFFC000  }
0x64: {  	s4 =	sadd.s32 $0x1, s4  }
0x65: {  	p1 =	sne.s32 s4, s11  }
.Ltmp2:
0x66: {  	[bflag:$0x0] =	sbarrier.arrive $0xFFFF;
	(pc) =	sbr.rel @p1 .LBB2_1-.Ltmp2, $4  }
0x67: {  	[hbm:s10], [sflag:s8] =	dma.local [spmem:s12], $0x2800  }
0x68: {  	_ =	swait.ge [sflag:s13], $0x2800  }
0x69: {  	[sflag:s13] =	ssyncset.done $0x0  }
0x6a: {  	[sflag:s13] =	ssyncadd.s32 $0xFFFFD800  }
0x6b: {  	_ =	sfence.sel $0x180000  }
0x6c: {  	[bflag:$0x0] =	sbarrier.arrive $0xFFFF  }
0x6d: {  	p0 =	sne.s32 s3, $0x0;
	_ =	strace $0x9000004A  }
0x6e: {  	s0 =	sadd.s32 @!p0 $0x100000, s0;
	[bflag:$0x2] =	sbarrier.arrive $0xFFFF  }
0x6f: {  	[sflag:s0] =	ssyncadd.tile.s32 @!p0 $0x1;
	_ =	shalt  }
.Lfunc_end2:
_tile_overlayer_lowered:
.L_overlay_start_2:
0x70: {  	(tag) =	ssettag $0x2  }
0x71: {  	s0 =	rddreg [dreg:$0x0];
	s2 =	stileid.u32  }
0x72: {  	s1 =	rddreg [dreg:$0x1];
	p0 =	sne.s32 s2, $0x0  }
0x73: {  	s3 =	rddreg [dreg:$0x2];
	[bflag:$0x3] =	sbarrier.arrive $0xFFFF;
	s2 =	simm.s32 @!p0 $0x1C03  }
0x74: {  	[timem:s3], [sflag:s2] =	dma.local @!p0 [hbm:s0], s1  }
0x75: {  	s0 =	simm.s32 @!p0 $0x3  }
0x76: {  	_ =	swait.ge @!p0 [sflag:s0], s1  }
0x77: {  	s1 =	ssub.s32 @!p0 $0x0, s1;
	[sflag:s0] =	ssyncset.done @!p0 $0x0  }
0x78: {  	[sflag:s0] =	ssyncadd.s32 @!p0 s1  }
0x79: {  	[bflag:$0x3] =	sbarrier.arrive $0xFFFF  }
0x7a: {  	_ =	shalt  }

// kernel: kernel.14.cloned.1.call-start
scs
__scs_entry_jumppad:
0x0: {  	(pc) =	sbr.rel $0x88, $3  }
0x1: {  	(tag) =	ssettag $0x0;
	lr =	simm.s32 $0x1  }
0x2: {  	[smem:$0x3F93] =	sst lr;
	_ =	strace $0xD0000000  }
0x3: {  	_ = 	snop  }
0x4: {  	_ = 	snop  }
0x5: {  	_ = 	snop  }
0x6: {  	_ = 	snop  }
0x7: {  	_ = 	snop  }
__scs_overlays_trampoline_lowered:
0x8: {  	[smem:$0x3FA2] =	sst s0  }
0x9: {  	[smem:$0x3FA3] =	sst s1  }
0xa: {  	[smem:$0x3FA4] =	sst s2  }
0xb: {  	[smem:$0x3FA5] =	sst s3  }
0xc: {  	[smem:$0x3FA6] =	sst s4  }
0xd: {  	[smem:$0x3FA7] =	sst s5  }
0xe: {  	[smem:$0x3FA8] =	sst s6  }
0xf: {  	[smem:$0x3FA9] =	sst s7  }
0x10: {  	[smem:$0x3FAA] =	sst s8  }
0x11: {  	[smem:$0x3FAB] =	sst s9;
	s0 =	simm.s32 @!p0 $0x0  }
0x12: {  	s1 =	sld [smem:$0x3F91];
	s0 =	simm.s32 @p0 $0x1  }
0x13: {  	[smem:$0x3FAC] =	sst s0;
	s0 =	simm.s32 @!p1 $0x0  }
0x14: {  	s2 =	sld [smem:$0x3F90];
	s0 =	simm.s32 @p1 $0x1  }
0x15: {  	[smem:$0x3FAD] =	sst s0;
	s0 =	simm.s32 @!p2 $0x0  }
0x16: {  	s3 =	sld [smem:$0x3FDB];
	s0 =	simm.s32 @p2 $0x1  }
0x17: {  	s4 =	simm.s32 $0x1BF5;
	[smem:$0x3FAF] =	sst s0  }
0x18: {  	s0 =	sld [smem:$0x3F92];
	_ =	swait.ge [sflag:s4], $0x0  }
0x19: {  	s7 =	sld [smem:$0x3F93]  }
0x1a: {  	s8 =	sadd.s32 $0xFFFFE003, lr  }
0x1b: {  	s9 =	sadd.s32 $0xFFFFFEF7, lr;
	s5 =	simm.s32 $0xFFFFFFFF;
	p2 =	slt.u32 s8, $0xFFFFF086  }
0x1c: {  	p1 =	slt.u32 s9, $0xF7A;
	s5 =	simm.s32 @!p2 $0x0  }
0x1d: {  	s5 =	simm.s32 @p1 $0x1;
	p0 =	seq.s32 s7, s2  }
0x1e: {  	s7 =	smul.u32 @!p0 $0xF7A, s2;
	p2 =	seq.s32 @!p0 s5, $0x0  }
0x1f: {  	s9 =	smul.u32 $0xF7A, s1;
	s8 =	simm.s32 @!p0 $0x1BF5;
	p2 =	por !p2, p0  }
0x20: {  	[sflag:s8] =	ssyncset.s32 @!p0 $0xFFFFF086;
	s6 =	sadd.s32 @!p0 s3, s7;
	s7 =	simm.s32 @!p0 $0x108  }
0x21: {  	s3 =	sadd.s32 s3, s9;
	s6 =	sadd.s32 @!p0 $0x88, s6;
	s7 =	simm.s32 @p2 $0x1082  }
0x22: {  	[simem:s7], [sflag:s8] =	dma.local @!p0 [hbm:s6], $0xF7A  }
0x23: {  	s9 =	sor.u32 $0xD0000000, s2;
	s6 =	simm.s32 $0x108;
	_ =	swait.ge @!p0 [sflag:s8], $0x0  }
0x24: {  	s3 =	sadd.s32 $0x88, s3;
	s6 =	simm.s32 @!p1 $0x1082;
	[sflag:s4] =	ssyncset.s32 $0xFFFFF086  }
0x25: {  	[simem:s6], [sflag:s4] =	dma.local [hbm:s3], $0xF7A  }
0x26: {  	[smem:$0x3F93] =	sst s1;
	(tag) =	ssettag s2;
	_ =	strace s9  }
0x27: {  	s1 =	sld [smem:$0x3FA3]  }
0x28: {  	s2 =	sld [smem:$0x3FA4]  }
0x29: {  	s4 =	sld [smem:$0x3FA6]  }
0x2a: {  	p0 =	seq.s32 s5, $0x0;
	s5 =	sld [smem:$0x3FA7]  }
0x2b: {  	s6 =	sld [smem:$0x3FA8]  }
0x2c: {  	s7 =	sld [smem:$0x3FA9]  }
0x2d: {  	s3 =	simm.s32 $0x108;
	s8 =	sld [smem:$0x3FAA]  }
0x2e: {  	s3 =	simm.s32 @!p0 $0x1082;
	s9 =	sld [smem:$0x3FAB]  }
0x2f: {  	lr =	sadd.s32 s0, s3;
	s0 =	sld [smem:$0x3FA2]  }
0x30: {  	s3 =	sld [smem:$0x3FA5]  }
0x31: {  	[smem:$0x3FAE] =	sst s10  }
0x32: {  	s10 =	sld [smem:$0x3FAC];
	_ =	sdelay $0x3  }
0x33: {  	p0 =	seq.s32 s10, $0x1;
	s10 =	sld [smem:$0x3FAE];
	_ =	sdelay $0x3  }
0x34: {  	[smem:$0x3FAE] =	sst s10  }
0x35: {  	s10 =	sld [smem:$0x3FAD];
	_ =	sdelay $0x3  }
0x36: {  	p1 =	seq.s32 s10, $0x1;
	s10 =	sld [smem:$0x3FAE];
	_ =	sdelay $0x3  }
0x37: {  	[smem:$0x3FAE] =	sst s10  }
0x38: {  	s10 =	sld [smem:$0x3FAF]  }
0x39: {  	_ = 	snop;
	(pc) =	sbr.ind lr, $3  }
0x3a: {  	_ = 	snop  }
0x3b: {  	_ = 	snop  }
0x3c: {  	p2 =	seq.s32 s10, $0x1;
	s10 =	sld [smem:$0x3FAE]  }
0x3d: {  	_ =	shalt  }
0x3e: {  	_ =	shalt  }
0x3f: {  	_ =	shalt  }
0x40: {  	_ =	shalt  }
0x41: {  	_ =	shalt  }
0x42: {  	_ =	shalt  }
0x43: {  	_ =	shalt  }
0x44: {  	_ =	shalt  }
0x45: {  	_ =	shalt  }
0x46: {  	_ =	shalt  }
0x47: {  	_ =	shalt  }
0x48: {  	_ =	shalt  }
0x49: {  	_ =	shalt  }
0x4a: {  	_ =	shalt  }
0x4b: {  	_ =	shalt  }
0x4c: {  	_ =	shalt  }
0x4d: {  	_ =	shalt  }
0x4e: {  	_ =	shalt  }
0x4f: {  	_ =	shalt  }
0x50: {  	_ =	shalt  }
0x51: {  	_ =	shalt  }
0x52: {  	_ =	shalt  }
0x53: {  	_ =	shalt  }
0x54: {  	_ =	shalt  }
0x55: {  	_ =	shalt  }
0x56: {  	_ =	shalt  }
0x57: {  	_ =	shalt  }
0x58: {  	_ =	shalt  }
0x59: {  	_ =	shalt  }
0x5a: {  	_ =	shalt  }
0x5b: {  	_ =	shalt  }
0x5c: {  	_ =	shalt  }
0x5d: {  	_ =	shalt  }
0x5e: {  	_ =	shalt  }
0x5f: {  	_ =	shalt  }
0x60: {  	_ =	shalt  }
0x61: {  	_ =	shalt  }
0x62: {  	_ =	shalt  }
0x63: {  	_ =	shalt  }
0x64: {  	_ =	shalt  }
0x65: {  	_ =	shalt  }
0x66: {  	_ =	shalt  }
0x67: {  	_ =	shalt  }
0x68: {  	_ =	shalt  }
0x69: {  	_ =	shalt  }
0x6a: {  	_ =	shalt  }
0x6b: {  	_ =	shalt  }
0x6c: {  	_ =	shalt  }
0x6d: {  	_ =	shalt  }
0x6e: {  	_ =	shalt  }
0x6f: {  	_ =	shalt  }
0x70: {  	_ =	shalt  }
0x71: {  	_ =	shalt  }
0x72: {  	_ =	shalt  }
0x73: {  	_ =	shalt  }
0x74: {  	_ =	shalt  }
0x75: {  	_ =	shalt  }
0x76: {  	_ =	shalt  }
0x77: {  	_ =	shalt  }
0x78: {  	_ =	shalt  }
0x79: {  	_ =	shalt  }
0x7a: {  	_ =	shalt  }
0x7b: {  	_ =	shalt  }
0x7c: {  	_ =	shalt  }
0x7d: {  	_ =	shalt  }
0x7e: {  	_ =	shalt  }
0x7f: {  	_ =	shalt  }
0x80: {  	_ =	shalt  }
0x81: {  	_ =	shalt  }
0x82: {  	_ =	shalt  }
0x83: {  	_ =	shalt  }
0x84: {  	_ =	shalt  }
0x85: {  	_ =	shalt  }
0x86: {  	_ =	shalt  }
0x87: {  	_ =	shalt  }
.Lfunc_end0:
.L_simem_size_0:
called_computation.2_lowered:
.L_overlay_start_0:
0x88: {  	s2 =	sld [smem:$0x3FD9]  }
0x89: {  	s3 =	sld [smem:$0x3FFE];
	_ =	sdelay $0x1  }
0x8a: {  	s1 =	srdreg.scid  }
0x8b: {  	s0 =	sand.u32 $0x1, s1  }
0x8c: {  	s17 =	sshll.u32 s0, $0xA;
	s2 =	sadd.s32 s3, s2  }
0x8d: {  	s2 =	sadd.s32 s2, s17  }
0x8e: {  	[smem:$0x3FBA] =	sst s2  }
0x8f: {  	_ = 	snop  }
0x90: {  	s2 =	sld [smem:$0x3FD0];
	(tm) =	ssettm $0x1  }
0x91: {  	s18 =	sld [smem:$0x3FFB];
	_ =	sdelay $0x3  }
0x92: {  	_ =	strace s18  }
0x93: {  	s3 =	sld [smem:$0x3FFC];
	_ =	sdelay $0x3  }
0x94: {  	_ =	strace s3  }
0x95: {  	s3 =	sld [smem:$0x3FFD];
	_ =	sdelay $0x3  }
0x96: {  	_ =	strace s3  }
0x97: {  	_ =	strace $0x8FFFFFFF  }
0x98: {  	s19 =	sld [smem:$0x3FDB];
	_ =	sdelay $0x1  }
0x99: {  	s4 =	simm.s32 $_scs_section_size  }
0x9a: {  	s5 =	simm.s32 $_size__tile_overlayer_lowered;
	s6 =	simm.s32 $_tile_overlayer_lowered  }
0x9b: {  	s22 =	simm.s32 $0x1BFF;
	s21 =	sshll.u32 s6, $0x1;
	s3 =	sadd.s32 s4, s19  }
0x9c: {  	s7 =	simm.s32 $0x0;
	s20 =	sshll.u32 s5, $0x1;
	s5 =	sadd.s32 s21, s3  }
0x9d: {  	[timem:s7], [sflag:s22] =	dma.local [hbm:s5], s20  }
0x9e: {  	_ =	swait.ge [sflag:s22], s20  }
0x9f: {  	s4 =	ssub.s32 $0x0, s20;
	[sflag:s22] =	ssyncset.done $0x0  }
0xa0: {  	[sflag:s22] =	ssyncadd.s32 s4;
	_ =	sdelay $0x1  }
0xa1: {  	s23 =	simm.s32 $0x1B8B  }
0xa2: {  	_ =	swait.ge [sflag:s23], $0x1  }
0xa3: {  	[sflag:s23] =	ssyncset.done $0x0  }
0xa4: {  	s25 =	simm.s32 $0x1B8E;
	s24 =	sld [smem:$0x3FFE];
	[sflag:s23] =	ssyncadd.s32 $0xFFFFFFFF  }
0xa5: {  	s26 =	simm.s32 $execute0_lowered;
	[smem:$0x3FD2] =	sst s25  }
0xa6: {  	s5 =	sshll.u32 s26, $0x1;
	_ =	strace $0x8000004C;
	[dreg:$0x1] =	wrdreg $0xFFFFFFFF  }
0xa7: {  	s28 =	simm.s32 $_size_execute0_lowered;
	s3 =	sadd.s32 s3, s5;
	[dreg:$0x0] =	wrdreg $0x0  }
0xa8: {  	s5 =	sshll.u32 s28, $0x1;
	[dreg:$0x2] =	wrdreg s3  }
0xa9: {  	[dreg:$0x3] =	wrdreg s5  }
0xaa: {  	[dreg:$0x4] =	wrdreg $0xC0  }
0xab: {  	_ =	task [dreg:s7], $0x5FFFF  }
0xac: {  	[dreg:$0x1] =	wrdreg $0xFFFFFFFF  }
0xad: {  	[dreg:$0x0] =	wrdreg $0x60  }
0xae: {  	[dreg:$0x2] =	wrdreg s24  }
0xaf: {  	[dreg:$0x3] =	wrdreg s2  }
0xb0: {  	[dreg:$0x4] =	wrdreg $0xA8000  }
0xb1: {  	[dreg:$0x5] =	wrdreg $0x9  }
0xb2: {  	_ =	task.clear_ibuf [dreg:s7], $0x6FFFF;
	_ =	strace $0x9000004C  }
0xb3: {  	s29 =	simm.s32 $0x9;
	_ =	strace $0x8000004E  }
0xb4: {  	_ =	swait.ge [sflag:s29], $0x1  }
0xb5: {  	[sflag:s29] =	ssyncadd.s32 $0xFFFFFFFF  }
0xb6: {  	_ =	strace $0x9000004E  }
0xb7: {  	_ =	sfence  }
0xb8: {  	s30 =	sld [smem:$0x0];
	_ =	sdelay $0x2  }
0xb9: {  	s31 =	sshll.u32 s1, $0xD;
	s1 =	sshrl.u32 s1, $0x2  }
0xba: {  	s3 =	sand.u32 $0x4000, s31;
	s1 =	sadd.s32 s1, s30  }
0xbb: {  	s0 =	sor.u32 s3, s0;
	s1 =	sshll.u32 s1, $0x11  }
0xbc: {  	s0 =	sor.u32 s1, s0  }
0xbd: {  	s0 =	sadd.s32 $0x8F2B, s0  }
0xbe: {  	[sflag:s0] =	ssyncadd.remote.s32 $0x1  }
0xbf: {  	_ =	sfence.sel $0xFFFF  }
0xc0: {  	[dreg:$0x0] =	wrdreg $0xFFFFFFFF;
	(pc) =	sbr.abs _section_cstart, $3  }
0xc1: {  	[dreg:$0x1] =	wrdreg $0xFFFFFFFF  }
0xc2: {  	_ =	task.clear_ibuf [dreg:s7], $0x2FFFF;
	_ =	strace $0x9FFFFFFF  }
0xc3: {  	(tm) =	ssettm $0x7FFFFFFF  }
tec
execute0_lowered:
.L_overlay_start_1:
0x0: {  	(tag) =	ssettag $0x1  }
0x1: {  	s8 =	rddreg [dreg:$0x0]  }
0x2: {  	s1 =	rddreg [dreg:$0x1]  }
0x3: {  	s2 =	rddreg [dreg:$0x2];
	s3 =	srdreg.scid  }
0x4: {  	s0 =	rddreg [dreg:$0x3];
	s4 =	simm.s32 $0x0;
	s15 =	simm.s32 $0x80  }
0x5: {  	s16 =	simm.s32 $0x2800;
	s17 =	simm.s32 $0x6800;
	s18 =	simm.s32 $0x1  }
0x6: {  	s19 =	simm.s32 $0x2;
	s21 =	simm.s32 $0x2700;
	s22 =	simm.s32 $0x2780  }
0x7: {  	s20 =	sand.u32 $0x1, s3;
	s3 =	stileid.u32;
	[smem:$0x7FF] =	sst s4  }
0x8: {  	s5 =	sadd.s32 $0x1CC00, s8;
	s6 =	sadd.s32 $0xDC00, s8;
	s7 =	smul.u32 $0x140000, s20  }
0x9: {  	s9 =	smul.u32 $0x14000, s3;
	_ =	strace $0x8000004D;
	s28 =	ssub.s32 $0x2, s20  }
0xa: {  	s12 =	smul.u32 $0x50000, s3;
	s29 =	sshll.u32 s3, $0x1;
	s31 =	sshll.u32 s3, $0x6  }
0xb: {  	p0 =	sne.s32 s20, $0x0;
	s11 =	sshrl.u32 s28, $0x1;
	s13 =	sor.u32 s20, s29  }
0xc: {  	s20 =	simm.s32 $0x1380;
	s7 =	sadd.s32 s9, s7;
	s11 =	ssub.s32 s28, s11  }
0xd: {  	s30 =	sshrl.u32 s12, $0x2;
	s9 =	smul.u32 $0x3C00, s13;
	s13 =	simm.s32 $0x3  }
0xe: {  	s10 =	sshrl.u32 s7, $0x3;
	s7 =	sadd.s32 $0x3C00, s8;
	s14 =	sadd.s32 s30, s2  }
0xf: {  	s11 =	smax.u32 s11, $0x1;
	s10 =	sadd.s32 s10, s8;
	s8 =	sor.u32 $0x1C03, s31  }
0x10: {  	s12 =	sshrl.u32 s14, $0x3;
	s14 =	simm.s32 $0x1400;
	s10 =	sadd.s32 $0x44C00, s10  }
.LBB2_1:
0x11: {  	[spmem:s12], [sflag:s8] =	dma.local [hbm:s7], $0x2800  }
0x12: {  	_ =	swait.ge [sflag:s13], $0x2800  }
0x13: {  	[sflag:s13] =	ssyncset.done $0x0  }
0x14: {  	[sflag:s13] =	ssyncadd.s32 $0xFFFFD800  }
0x15: {  	s23 =	simm.s32 $0x0;
	[bflag:$0x0] =	sbarrier.arrive $0xFFFF  }
.LBB2_2:
0x16: {  	s24 =	smul.u32 $0x1400, s23;
	_ =	sdelay $0x1  }
0x17: {  	s24 =	sadd.s32 s9, s24  }
0x18: {  	s24 =	sshrl.u32 s24, $0x3  }
0x19: {  	s26 =	simm.s32 $0x0;
	s25 =	sadd.s32 s6, s24  }
0x1a: {  	[tilespmem:s26], [sflag:$0x3] =	stream.linear.gather [hbm4b:s25+s26], $0x1400, $0x38;
	[tilespmem:$0x1E800] =	vst v63  }
0x1b: {  	_ =	swait.ge [sflag:s13], $0x1400  }
0x1c: {  	[sflag:s13] =	ssyncset.done $0x0  }
0x1d: {  	s24 =	sadd.s32 s1, s24;
	[sflag:s13] =	ssyncadd.s32 $0xFFFFEC00  }
0x1e: {  	[tilespmem:s14], [sflag:$0x3] =	stream.linear.gather [hbm4b:s24+s26], $0x1400, $0x38;
	[tilespmem:$0x1E800] =	vst v63  }
0x1f: {  	_ =	swait.ge [sflag:s13], $0x1400  }
0x20: {  	[sflag:s13] =	ssyncset.done $0x0  }
0x21: {  	[sflag:s13] =	ssyncadd.s32 $0xFFFFEC00  }
0x22: {  	[tilespmem:s16], [sflag:$0x1] =	stream.indirect.gather [hbm4b:s5+s15], $0x80, s26, s15, $0xb8;
	[tilespmem:$0x1E800] =	vst v63  }
0x23: {  	s28 =	simm.s32 $0x80  }
0x24: {  	[tilespmem:s17], [sflag:$0x2] =	stream.indirect.gather [hbm4b:s5+s15], $0x80, s28, s15, $0xb8;
	[tilespmem:$0x1E800] =	vst v63  }
0x25: {  	_ =	swait.ge [sflag:s18], $0x4000  }
0x26: {  	[sflag:s18] =	ssyncset.done $0x0  }
0x27: {  	s29 =	simm.s32 $0x1400;
	[sflag:s18] =	ssyncadd.s32 $0xFFFFC000  }
0x28: {  	[spmem:s2] =	stream.indirect.scatter.add.f32 [tilespmem:s16], [sflag:$0x3], $0x80, s29, s15, $0xb8;
	[tilespmem:$0x1E800] =	vst v63  }
0x29: {  	_ =	swait.ge [sflag:s13], $0x4000  }
0x2a: {  	[sflag:s13] =	ssyncset.done $0x0  }
0x2b: {  	s30 =	simm.s32 $0x100;
	[sflag:s13] =	ssyncadd.s32 $0xFFFFC000  }
0x2c: {  	[tilespmem:s16], [sflag:$0x1] =	stream.indirect.gather [hbm4b:s5+s15], $0x80, s30, s15, $0xb8;
	[tilespmem:$0x1E800] =	vst v63  }
0x2d: {  	_ =	swait.ge [sflag:s19], $0x4000  }
0x2e: {  	[sflag:s19] =	ssyncset.done $0x0  }
0x2f: {  	s31 =	simm.s32 $0x1480;
	[sflag:s19] =	ssyncadd.s32 $0xFFFFC000  }
0x30: {  	[spmem:s2] =	stream.indirect.scatter.add.f32 [tilespmem:s17], [sflag:$0x3], $0x80, s31, s15, $0xb8;
	[tilespmem:$0x1E800] =	vst v63  }
0x31: {  	_ =	swait.ge [sflag:s13], $0x4000  }
0x32: {  	s25 =	simm.s32 $0x800;
	s24 =	simm.s32 $0x100;
	[sflag:s13] =	ssyncset.done $0x0  }
.LBB2_3:
0x33: {  	s26 =	sadd.s32 $0x80, s24  }
0x34: {  	[sflag:s13] =	ssyncadd.s32 $0xFFFFC000;
	s28 =	smov.u32 s25;
	s29 =	sadd.s32 $0x400, s25  }
0x35: {  	[tilespmem:s17], [sflag:$0x2] =	stream.indirect.gather [hbm4b:s5+s15], $0x80, s26, s15, $0xb8;
	[tilespmem:$0x1E800] =	vst v63  }
0x36: {  	p1 =	sne.s32 s25, $0x4800;
	_ =	swait.ge [sflag:s18], $0x4000  }
0x37: {  	[sflag:s18] =	ssyncset.done $0x0  }
0x38: {  	s25 =	sadd.s32 $0x1400, s24;
	[sflag:s18] =	ssyncadd.s32 $0xFFFFC000  }
0x39: {  	[spmem:s2] =	stream.indirect.scatter.add.f32 [tilespmem:s16], [sflag:$0x3], $0x80, s25, s15, $0xb8;
	[tilespmem:$0x1E800] =	vst v63  }
0x3a: {  	_ =	swait.ge [sflag:s13], $0x4000  }
0x3b: {  	[sflag:s13] =	ssyncset.done $0x0  }
0x3c: {  	s25 =	sadd.s32 $0x100, s24;
	[sflag:s13] =	ssyncadd.s32 $0xFFFFC000  }
0x3d: {  	[tilespmem:s16], [sflag:$0x1] =	stream.indirect.gather [hbm4b:s5+s15], $0x80, s25, s15, $0xb8;
	[tilespmem:$0x1E800] =	vst v63  }
0x3e: {  	_ =	swait.ge [sflag:s19], $0x4000  }
.Ltmp0:
0x3f: {  	[sflag:s19] =	ssyncset.done $0x0;
	(pc) =	sbr.rel @p1 .LBB2_3-.Ltmp0, $4  }
0x40: {  	s24 =	sadd.s32 $0x1480, s24;
	[sflag:s19] =	ssyncadd.s32 $0xFFFFC000  }
0x41: {  	[spmem:s2] =	stream.indirect.scatter.add.f32 [tilespmem:s17], [sflag:$0x3], $0x80, s24, s15, $0xb8;
	[tilespmem:$0x1E800] =	vst v63  }
0x42: {  	_ =	swait.ge [sflag:s13], $0x4000  }
0x43: {  	s25 =	smov.u32 s29;
	s24 =	sshra.s32 s28, $0x2;
	[sflag:s13] =	ssyncset.done $0x0  }
0x44: {  	s25 =	sadd.s32 $0x80, s24;
	[sflag:s13] =	ssyncadd.s32 $0xFFFFC000  }
0x45: {  	[tilespmem:s17], [sflag:$0x2] =	stream.indirect.gather [hbm4b:s5+s15], $0x80, s25, s15, $0xb8;
	[tilespmem:$0x1E800] =	vst v63  }
0x46: {  	_ =	swait.ge [sflag:s18], $0x4000  }
0x47: {  	[sflag:s18] =	ssyncset.done $0x0  }
0x48: {  	s29 =	sadd.s32 $0x1400, s24;
	[sflag:s18] =	ssyncadd.s32 $0xFFFFC000  }
0x49: {  	[spmem:s2] =	stream.indirect.scatter.add.f32 [tilespmem:s16], [sflag:$0x3], $0x80, s29, s15, $0xb8;
	[tilespmem:$0x1E800] =	vst v63  }
0x4a: {  	_ =	swait.ge [sflag:s13], $0x4000  }
0x4b: {  	[sflag:s13] =	ssyncset.done $0x0  }
0x4c: {  	s30 =	sadd.s32 $0x100, s24;
	[sflag:s13] =	ssyncadd.s32 $0xFFFFC000  }
0x4d: {  	[tilespmem:s16], [sflag:$0x1] =	stream.indirect.gather [hbm4b:s5+s15], $0x80, s30, s15, $0xb8;
	[tilespmem:$0x1E800] =	vst v63  }
0x4e: {  	_ =	swait.ge [sflag:s19], $0x4000  }
0x4f: {  	[sflag:s19] =	ssyncset.done $0x0  }
0x50: {  	s31 =	sadd.s32 $0x1480, s24;
	[sflag:s19] =	ssyncadd.s32 $0xFFFFC000  }
0x51: {  	[spmem:s2] =	stream.indirect.scatter.add.f32 [tilespmem:s17], [sflag:$0x3], $0x80, s31, s15, $0xb8;
	[tilespmem:$0x1E800] =	vst v63  }
0x52: {  	_ =	swait.ge [sflag:s13], $0x4000  }
0x53: {  	[sflag:s13] =	ssyncset.done $0x0  }
0x54: {  	[sflag:s13] =	ssyncadd.s32 $0xFFFFC000  }
0x55: {  	[tilespmem:s17], [sflag:$0x2] =	stream.indirect.gather [hbm4b:s5+s15], $0x80, s20, s15, $0xb8;
	[tilespmem:$0x1E800] =	vst v63  }
0x56: {  	_ =	swait.ge [sflag:s18], $0x4000  }
0x57: {  	[sflag:s18] =	ssyncset.done $0x0  }
0x58: {  	[sflag:s18] =	ssyncadd.s32 $0xFFFFC000  }
0x59: {  	[spmem:s2] =	stream.indirect.scatter.add.f32 [tilespmem:s16], [sflag:$0x3], $0x80, s21, s15, $0xb8;
	[tilespmem:$0x1E800] =	vst v63  }
0x5a: {  	_ =	swait.ge [sflag:s13], $0x4000  }
0x5b: {  	[sflag:s13] =	ssyncset.done $0x0  }
0x5c: {  	[sflag:s13] =	ssyncadd.s32 $0xFFFFC000  }
0x5d: {  	p1 =	slt.u32 @!p0 s23, $0x2;
	_ =	swait.ge [sflag:s19], $0x4000  }
0x5e: {  	p1 =	por p0, !p1;
	[sflag:s19] =	ssyncset.done $0x0  }
.Ltmp1:
0x5f: {  	[sflag:s19] =	ssyncadd.s32 $0xFFFFC000;
	(pc) =	sbr.rel @!p1 .LBB2_2-.Ltmp1, $4  }
0x60: {  	[spmem:s2] =	stream.indirect.scatter.add.f32 [tilespmem:s17], [sflag:$0x3], $0x80, s22, s15, $0xb8;
	[tilespmem:$0x1E800] =	vst v63  }
0x61: {  	_ =	swait.ge [sflag:s13], $0x4000  }
0x62: {  	[sflag:s13] =	ssyncset.done $0x0  }
0x63: {  	s23 =	sadd.s32 $0x1, s23;
	[sflag:s13] =	ssyncadd.s32 $0xFFFFC000  }
0x64: {  	s4 =	sadd.s32 $0x1, s4  }
0x65: {  	p1 =	sne.s32 s4, s11  }
.Ltmp2:
0x66: {  	[bflag:$0x0] =	sbarrier.arrive $0xFFFF;
	(pc) =	sbr.rel @p1 .LBB2_1-.Ltmp2, $4  }
0x67: {  	[hbm:s10], [sflag:s8] =	dma.local [spmem:s12], $0x2800  }
0x68: {  	_ =	swait.ge [sflag:s13], $0x2800  }
0x69: {  	[sflag:s13] =	ssyncset.done $0x0  }
0x6a: {  	[sflag:s13] =	ssyncadd.s32 $0xFFFFD800  }
0x6b: {  	_ =	sfence.sel $0x180000  }
0x6c: {  	[bflag:$0x0] =	sbarrier.arrive $0xFFFF  }
0x6d: {  	p0 =	sne.s32 s3, $0x0;
	_ =	strace $0x9000004D  }
0x6e: {  	s0 =	sadd.s32 @!p0 $0x100000, s0;
	[bflag:$0x2] =	sbarrier.arrive $0xFFFF  }
0x6f: {  	[sflag:s0] =	ssyncadd.tile.s32 @!p0 $0x1;
	_ =	shalt  }
.Lfunc_end2:
_tile_overlayer_lowered:
.L_overlay_start_2:
0x70: {  	(tag) =	ssettag $0x2  }
0x71: {  	s0 =	rddreg [dreg:$0x0];
	s2 =	stileid.u32  }
0x72: {  	s1 =	rddreg [dreg:$0x1];
	p0 =	sne.s32 s2, $0x0  }
0x73: {  	s3 =	rddreg [dreg:$0x2];
	[bflag:$0x3] =	sbarrier.arrive $0xFFFF;
	s2 =	simm.s32 @!p0 $0x1C03  }
0x74: {  	[timem:s3], [sflag:s2] =	dma.local @!p0 [hbm:s0], s1  }
0x75: {  	s0 =	simm.s32 @!p0 $0x3  }
0x76: {  	_ =	swait.ge @!p0 [sflag:s0], s1  }
0x77: {  	s1 =	ssub.s32 @!p0 $0x0, s1;
	[sflag:s0] =	ssyncset.done @!p0 $0x0  }
0x78: {  	[sflag:s0] =	ssyncadd.s32 @!p0 s1  }
0x79: {  	[bflag:$0x3] =	sbarrier.arrive $0xFFFF  }
0x7a: {  	_ =	shalt  }

// kernel: kernel.8.cloned.1.call-start
scs
__scs_entry_jumppad:
0x0: {  	(pc) =	sbr.rel $0x88, $3  }
0x1: {  	(tag) =	ssettag $0x0;
	lr =	simm.s32 $0x1  }
0x2: {  	[smem:$0x3F93] =	sst lr;
	_ =	strace $0xD0000000  }
0x3: {  	_ = 	snop  }
0x4: {  	_ = 	snop  }
0x5: {  	_ = 	snop  }
0x6: {  	_ = 	snop  }
0x7: {  	_ = 	snop  }
__scs_overlays_trampoline_lowered:
0x8: {  	[smem:$0x3FA2] =	sst s0  }
0x9: {  	[smem:$0x3FA3] =	sst s1  }
0xa: {  	[smem:$0x3FA4] =	sst s2  }
0xb: {  	[smem:$0x3FA5] =	sst s3  }
0xc: {  	[smem:$0x3FA6] =	sst s4  }
0xd: {  	[smem:$0x3FA7] =	sst s5  }
0xe: {  	[smem:$0x3FA8] =	sst s6  }
0xf: {  	[smem:$0x3FA9] =	sst s7  }
0x10: {  	[smem:$0x3FAA] =	sst s8  }
0x11: {  	[smem:$0x3FAB] =	sst s9;
	s0 =	simm.s32 @!p0 $0x0  }
0x12: {  	s1 =	sld [smem:$0x3F91];
	s0 =	simm.s32 @p0 $0x1  }
0x13: {  	[smem:$0x3FAC] =	sst s0;
	s0 =	simm.s32 @!p1 $0x0  }
0x14: {  	s2 =	sld [smem:$0x3F90];
	s0 =	simm.s32 @p1 $0x1  }
0x15: {  	[smem:$0x3FAD] =	sst s0;
	s0 =	simm.s32 @!p2 $0x0  }
0x16: {  	s3 =	sld [smem:$0x3FDB];
	s0 =	simm.s32 @p2 $0x1  }
0x17: {  	s4 =	simm.s32 $0x1BF5;
	[smem:$0x3FAF] =	sst s0  }
0x18: {  	s0 =	sld [smem:$0x3F92];
	_ =	swait.ge [sflag:s4], $0x0  }
0x19: {  	s7 =	sld [smem:$0x3F93]  }
0x1a: {  	s8 =	sadd.s32 $0xFFFFE003, lr  }
0x1b: {  	s9 =	sadd.s32 $0xFFFFFEF7, lr;
	s5 =	simm.s32 $0xFFFFFFFF;
	p2 =	slt.u32 s8, $0xFFFFF086  }
0x1c: {  	p1 =	slt.u32 s9, $0xF7A;
	s5 =	simm.s32 @!p2 $0x0  }
0x1d: {  	s5 =	simm.s32 @p1 $0x1;
	p0 =	seq.s32 s7, s2  }
0x1e: {  	s7 =	smul.u32 @!p0 $0xF7A, s2;
	p2 =	seq.s32 @!p0 s5, $0x0  }
0x1f: {  	s9 =	smul.u32 $0xF7A, s1;
	s8 =	simm.s32 @!p0 $0x1BF5;
	p2 =	por !p2, p0  }
0x20: {  	[sflag:s8] =	ssyncset.s32 @!p0 $0xFFFFF086;
	s6 =	sadd.s32 @!p0 s3, s7;
	s7 =	simm.s32 @!p0 $0x108  }
0x21: {  	s3 =	sadd.s32 s3, s9;
	s6 =	sadd.s32 @!p0 $0x88, s6;
	s7 =	simm.s32 @p2 $0x1082  }
0x22: {  	[simem:s7], [sflag:s8] =	dma.local @!p0 [hbm:s6], $0xF7A  }
0x23: {  	s9 =	sor.u32 $0xD0000000, s2;
	s6 =	simm.s32 $0x108;
	_ =	swait.ge @!p0 [sflag:s8], $0x0  }
0x24: {  	s3 =	sadd.s32 $0x88, s3;
	s6 =	simm.s32 @!p1 $0x1082;
	[sflag:s4] =	ssyncset.s32 $0xFFFFF086  }
0x25: {  	[simem:s6], [sflag:s4] =	dma.local [hbm:s3], $0xF7A  }
0x26: {  	[smem:$0x3F93] =	sst s1;
	(tag) =	ssettag s2;
	_ =	strace s9  }
0x27: {  	s1 =	sld [smem:$0x3FA3]  }
0x28: {  	s2 =	sld [smem:$0x3FA4]  }
0x29: {  	s4 =	sld [smem:$0x3FA6]  }
0x2a: {  	p0 =	seq.s32 s5, $0x0;
	s5 =	sld [smem:$0x3FA7]  }
0x2b: {  	s6 =	sld [smem:$0x3FA8]  }
0x2c: {  	s7 =	sld [smem:$0x3FA9]  }
0x2d: {  	s3 =	simm.s32 $0x108;
	s8 =	sld [smem:$0x3FAA]  }
0x2e: {  	s3 =	simm.s32 @!p0 $0x1082;
	s9 =	sld [smem:$0x3FAB]  }
0x2f: {  	lr =	sadd.s32 s0, s3;
	s0 =	sld [smem:$0x3FA2]  }
0x30: {  	s3 =	sld [smem:$0x3FA5]  }
0x31: {  	[smem:$0x3FAE] =	sst s10  }
0x32: {  	s10 =	sld [smem:$0x3FAC];
	_ =	sdelay $0x3  }
0x33: {  	p0 =	seq.s32 s10, $0x1;
	s10 =	sld [smem:$0x3FAE];
	_ =	sdelay $0x3  }
0x34: {  	[smem:$0x3FAE] =	sst s10  }
0x35: {  	s10 =	sld [smem:$0x3FAD];
	_ =	sdelay $0x3  }
0x36: {  	p1 =	seq.s32 s10, $0x1;
	s10 =	sld [smem:$0x3FAE];
	_ =	sdelay $0x3  }
0x37: {  	[smem:$0x3FAE] =	sst s10  }
0x38: {  	s10 =	sld [smem:$0x3FAF]  }
0x39: {  	_ = 	snop;
	(pc) =	sbr.ind lr, $3  }
0x3a: {  	_ = 	snop  }
0x3b: {  	_ = 	snop  }
0x3c: {  	p2 =	seq.s32 s10, $0x1;
	s10 =	sld [smem:$0x3FAE]  }
0x3d: {  	_ =	shalt  }
0x3e: {  	_ =	shalt  }
0x3f: {  	_ =	shalt  }
0x40: {  	_ =	shalt  }
0x41: {  	_ =	shalt  }
0x42: {  	_ =	shalt  }
0x43: {  	_ =	shalt  }
0x44: {  	_ =	shalt  }
0x45: {  	_ =	shalt  }
0x46: {  	_ =	shalt  }
0x47: {  	_ =	shalt  }
0x48: {  	_ =	shalt  }
0x49: {  	_ =	shalt  }
0x4a: {  	_ =	shalt  }
0x4b: {  	_ =	shalt  }
0x4c: {  	_ =	shalt  }
0x4d: {  	_ =	shalt  }
0x4e: {  	_ =	shalt  }
0x4f: {  	_ =	shalt  }
0x50: {  	_ =	shalt  }
0x51: {  	_ =	shalt  }
0x52: {  	_ =	shalt  }
0x53: {  	_ =	shalt  }
0x54: {  	_ =	shalt  }
0x55: {  	_ =	shalt  }
0x56: {  	_ =	shalt  }
0x57: {  	_ =	shalt  }
0x58: {  	_ =	shalt  }
0x59: {  	_ =	shalt  }
0x5a: {  	_ =	shalt  }
0x5b: {  	_ =	shalt  }
0x5c: {  	_ =	shalt  }
0x5d: {  	_ =	shalt  }
0x5e: {  	_ =	shalt  }
0x5f: {  	_ =	shalt  }
0x60: {  	_ =	shalt  }
0x61: {  	_ =	shalt  }
0x62: {  	_ =	shalt  }
0x63: {  	_ =	shalt  }
0x64: {  	_ =	shalt  }
0x65: {  	_ =	shalt  }
0x66: {  	_ =	shalt  }
0x67: {  	_ =	shalt  }
0x68: {  	_ =	shalt  }
0x69: {  	_ =	shalt  }
0x6a: {  	_ =	shalt  }
0x6b: {  	_ =	shalt  }
0x6c: {  	_ =	shalt  }
0x6d: {  	_ =	shalt  }
0x6e: {  	_ =	shalt  }
0x6f: {  	_ =	shalt  }
0x70: {  	_ =	shalt  }
0x71: {  	_ =	shalt  }
0x72: {  	_ =	shalt  }
0x73: {  	_ =	shalt  }
0x74: {  	_ =	shalt  }
0x75: {  	_ =	shalt  }
0x76: {  	_ =	shalt  }
0x77: {  	_ =	shalt  }
0x78: {  	_ =	shalt  }
0x79: {  	_ =	shalt  }
0x7a: {  	_ =	shalt  }
0x7b: {  	_ =	shalt  }
0x7c: {  	_ =	shalt  }
0x7d: {  	_ =	shalt  }
0x7e: {  	_ =	shalt  }
0x7f: {  	_ =	shalt  }
0x80: {  	_ =	shalt  }
0x81: {  	_ =	shalt  }
0x82: {  	_ =	shalt  }
0x83: {  	_ =	shalt  }
0x84: {  	_ =	shalt  }
0x85: {  	_ =	shalt  }
0x86: {  	_ =	shalt  }
0x87: {  	_ =	shalt  }
.Lfunc_end0:
.L_simem_size_0:
called_computation_lowered:
.L_overlay_start_0:
0x88: {  	s2 =	sld [smem:$0x3FD9]  }
0x89: {  	s3 =	sld [smem:$0x3FFE];
	_ =	sdelay $0x1  }
0x8a: {  	s1 =	srdreg.scid  }
0x8b: {  	s0 =	sand.u32 $0x1, s1  }
0x8c: {  	s17 =	sshll.u32 s0, $0xA;
	s2 =	sadd.s32 s3, s2  }
0x8d: {  	s2 =	sadd.s32 s2, s17  }
0x8e: {  	[smem:$0x3FBA] =	sst s2  }
0x8f: {  	_ = 	snop  }
0x90: {  	s2 =	sld [smem:$0x3FD0];
	(tm) =	ssettm $0x1  }
0x91: {  	s18 =	sld [smem:$0x3FFB];
	_ =	sdelay $0x3  }
0x92: {  	_ =	strace s18  }
0x93: {  	s3 =	sld [smem:$0x3FFC];
	_ =	sdelay $0x3  }
0x94: {  	_ =	strace s3  }
0x95: {  	s3 =	sld [smem:$0x3FFD];
	_ =	sdelay $0x3  }
0x96: {  	_ =	strace s3  }
0x97: {  	_ =	strace $0x8FFFFFFF  }
0x98: {  	s19 =	sld [smem:$0x3FDB];
	_ =	sdelay $0x1  }
0x99: {  	s4 =	simm.s32 $_scs_section_size  }
0x9a: {  	s5 =	simm.s32 $_size__tile_overlayer_lowered;
	s6 =	simm.s32 $_tile_overlayer_lowered  }
0x9b: {  	s22 =	simm.s32 $0x1BFF;
	s21 =	sshll.u32 s6, $0x1;
	s3 =	sadd.s32 s4, s19  }
0x9c: {  	s7 =	simm.s32 $0x0;
	s20 =	sshll.u32 s5, $0x1;
	s5 =	sadd.s32 s21, s3  }
0x9d: {  	[timem:s7], [sflag:s22] =	dma.local [hbm:s5], s20  }
0x9e: {  	_ =	swait.ge [sflag:s22], s20  }
0x9f: {  	s4 =	ssub.s32 $0x0, s20;
	[sflag:s22] =	ssyncset.done $0x0  }
0xa0: {  	[sflag:s22] =	ssyncadd.s32 s4;
	_ =	sdelay $0x1  }
0xa1: {  	s23 =	simm.s32 $0x1B8B  }
0xa2: {  	_ =	swait.ge [sflag:s23], $0x1  }
0xa3: {  	[sflag:s23] =	ssyncset.done $0x0  }
0xa4: {  	s25 =	simm.s32 $0x1B8E;
	s24 =	sld [smem:$0x3FFE];
	[sflag:s23] =	ssyncadd.s32 $0xFFFFFFFF  }
0xa5: {  	s26 =	simm.s32 $execute0_lowered;
	[smem:$0x3FD2] =	sst s25  }
0xa6: {  	s5 =	sshll.u32 s26, $0x1;
	_ =	strace $0x80000046;
	[dreg:$0x1] =	wrdreg $0xFFFFFFFF  }
0xa7: {  	s28 =	simm.s32 $_size_execute0_lowered;
	s3 =	sadd.s32 s3, s5;
	[dreg:$0x0] =	wrdreg $0x0  }
0xa8: {  	s5 =	sshll.u32 s28, $0x1;
	[dreg:$0x2] =	wrdreg s3  }
0xa9: {  	[dreg:$0x3] =	wrdreg s5  }
0xaa: {  	[dreg:$0x4] =	wrdreg $0xC0  }
0xab: {  	_ =	task [dreg:s7], $0x5FFFF  }
0xac: {  	[dreg:$0x1] =	wrdreg $0xFFFFFFFF  }
0xad: {  	[dreg:$0x0] =	wrdreg $0x60  }
0xae: {  	[dreg:$0x2] =	wrdreg s2  }
0xaf: {  	[dreg:$0x3] =	wrdreg s24  }
0xb0: {  	[dreg:$0x4] =	wrdreg $0x9  }
0xb1: {  	_ =	task.clear_ibuf [dreg:s7], $0x5FFFF;
	_ =	strace $0x90000046  }
0xb2: {  	s29 =	simm.s32 $0x9;
	_ =	strace $0x80000048  }
0xb3: {  	_ =	swait.ge [sflag:s29], $0x1  }
0xb4: {  	[sflag:s29] =	ssyncadd.s32 $0xFFFFFFFF  }
0xb5: {  	_ =	strace $0x90000048  }
0xb6: {  	_ =	sfence  }
0xb7: {  	s30 =	sld [smem:$0x0];
	_ =	sdelay $0x2  }
0xb8: {  	s31 =	sshll.u32 s1, $0xD;
	s1 =	sshrl.u32 s1, $0x2  }
0xb9: {  	s3 =	sand.u32 $0x4000, s31;
	s1 =	sadd.s32 s1, s30  }
0xba: {  	s0 =	sor.u32 s3, s0;
	s1 =	sshll.u32 s1, $0x11  }
0xbb: {  	s0 =	sor.u32 s1, s0  }
0xbc: {  	s0 =	sadd.s32 $0x8F2B, s0  }
0xbd: {  	[sflag:s0] =	ssyncadd.remote.s32 $0x1  }
0xbe: {  	_ =	sfence.sel $0xFFFF  }
0xbf: {  	[dreg:$0x0] =	wrdreg $0xFFFFFFFF;
	(pc) =	sbr.abs _section_cstart, $3  }
0xc0: {  	[dreg:$0x1] =	wrdreg $0xFFFFFFFF  }
0xc1: {  	_ =	task.clear_ibuf [dreg:s7], $0x2FFFF;
	_ =	strace $0x9FFFFFFF  }
0xc2: {  	(tm) =	ssettm $0x7FFFFFFF  }
0xc3: {  	_ =	shalt  }
tec
execute0_lowered:
.L_overlay_start_1:
0x0: {  	(tag) =	ssettag $0x1  }
0x1: {  	s1 =	srdreg.scid  }
0x2: {  	s0 =	stileid.u32;
	s4 =	rddreg [dreg:$0x0]  }
0x3: {  	s6 =	rddreg [dreg:$0x1];
	s2 =	simm.s32 $0x0;
	s9 =	simm.s32 $0x80  }
0x4: {  	s10 =	simm.s32 $0x400;
	s11 =	simm.s32 $0x0;
	s3 =	sand.u32 $0x1, s1  }
0x5: {  	s28 =	sshll.u32 s0, $0x1;
	s29 =	sshrl.u32 s0, $0x2;
	s1 =	rddreg [dreg:$0x2]  }
0x6: {  	[smem:$0x7FF] =	sst s2;
	s5 =	sor.u32 s3, s28;
	s7 =	smul.u32 $0x14000, s29  }
0x7: {  	_ =	strace $0x80000047;
	s30 =	ssub.s32 $0x2, s3;
	s8 =	sshll.u32 s5, $0x7  }
0x8: {  	p0 =	seq.s32 s3, $0x0;
	s5 =	smul.u32 $0x780, s5;
	s8 =	sand.u32 $0x380, s8  }
0x9: {  	s3 =	simm.s32 $0x78;
	s31 =	sshrl.u32 s30, $0x1;
	s7 =	sor.u32 s7, s8  }
0xa: {  	s3 =	simm.s32 @!p0 $0x28;
	s4 =	sadd.s32 s4, s5;
	s7 =	sshrl.u32 s7, $0x3  }
0xb: {  	s8 =	simm.s32 $0x3C00;
	s6 =	sadd.s32 s7, s6;
	s7 =	ssub.s32 s30, s31  }
0xc: {  	v0 =	vimm.f32 $0.0e+00;
	v1 =	vimm.f32 $1.000000000e+00;
	s5 =	sadd.s32 $0x3C00, s6;
	s6 =	smax.u32 s7, $0x1;
	s7 =	simm.s32 $0x1  }
.LBB2_1:
0xd: {  	[tilespmem:s2], [sflag:$0x1] =	stream.linear.gather [hbm4b:s4+s2], $0x3C00, $0x38;
	[tilespmem:$0x6400] =	vst v63  }
0xe: {  	_ =	swait.ge [sflag:s7], $0x3C00  }
0xf: {  	[sflag:s7] =	ssyncset.done $0x0  }
0x10: {  	s12 =	simm.s32 $0x0;
	[sflag:s7] =	ssyncadd.s32 $0xFFFFC400  }
.LBB2_2:
0x11: {  	p0 =	sne.s32 s12, $0x9FC0  }
.Ltmp0:
0x12: {  	_ = 	snop;
	(pc) =	sbr.rel @p0 .LBB2_2-.Ltmp0, $3  }
0x13: {  	_ =	sdelay $0x1  }
0x14: {  	s13 =	sshra.s32 s12, $0x2  }
0x15: {  	s12 =	sadd.s32 $0x40, s12;
	[tilespmem:s13+$0x3C00] =	vst v0  }
0x16: {  	s12 =	simm.s32 $0x40;
	s13 =	smov.u32 s3  }
.LBB2_4:
0x17: {  	v2 =	vld [tilespmem:s12+$0xFFFFFFC0];
	_ =	sdelay $0x7  }
0x18: {  	[tilespmem:v2+s8+$0x0] =	vst.idx.add.f32.msk $0xffff, v1  }
0x19: {  	v2 =	vld [tilespmem:s12+$0xFFFFFFD0];
	_ =	sdelay $0x7  }
0x1a: {  	[tilespmem:v2+s8+$0x0] =	vst.idx.add.f32.msk $0xffff, v1  }
0x1b: {  	v2 =	vld [tilespmem:s12+$0xFFFFFFE0];
	_ =	sdelay $0x7  }
0x1c: {  	[tilespmem:v2+s8+$0x0] =	vst.idx.add.f32.msk $0xffff, v1  }
0x1d: {  	v2 =	vld [tilespmem:s12+$0xFFFFFFF0];
	_ =	sdelay $0x7  }
0x1e: {  	[tilespmem:v2+s8+$0x0] =	vst.idx.add.f32.msk $0xffff, v1  }
0x1f: {  	v2 =	vld [tilespmem:s12+$0x0];
	_ =	sdelay $0x7  }
0x20: {  	[tilespmem:v2+s8+$0x0] =	vst.idx.add.f32.msk $0xffff, v1  }
0x21: {  	v2 =	vld [tilespmem:s12+$0x10];
	_ =	sdelay $0x7  }
0x22: {  	[tilespmem:v2+s8+$0x0] =	vst.idx.add.f32.msk $0xffff, v1  }
0x23: {  	v2 =	vld [tilespmem:s12+$0x20];
	_ =	sdelay $0x7  }
0x24: {  	[tilespmem:v2+s8+$0x0] =	vst.idx.add.f32.msk $0xffff, v1  }
0x25: {  	v2 =	vld [tilespmem:s12+$0x30];
	_ =	sdelay $0x2  }
0x26: {  	p0 =	sne.s32 s13, $0x1  }
.Ltmp1:
0x27: {  	_ = 	snop;
	(pc) =	sbr.rel @p0 .LBB2_4-.Ltmp1, $2  }
0x28: {  	_ =	sdelay $0x2  }
0x29: {  	s13 =	sadd.s32 $0xFFFFFFFF, s13;
	s12 =	sadd.s32 $0x80, s12;
	[tilespmem:v2+s8+$0x0] =	vst.idx.add.f32.msk $0xffff, v1  }
0x2a: {  	s11 =	sadd.s32 $0x1, s11  }
0x2b: {  	p0 =	sne.s32 s11, s6  }
.Ltmp2:
0x2c: {  	_ = 	snop;
	(pc) =	sbr.rel @p0 .LBB2_1-.Ltmp2, $4  }
0x2d: {  	[hbm4b:s5+s9] =	stream.strided.scatter [tilespmem:s8], [sflag:$0x1], $0x2800, s10, s9, $0x38;
	[tilespmem:$0x6400] =	vst v63  }
0x2e: {  	_ =	swait.ge [sflag:s7], $0x2800  }
0x2f: {  	[sflag:s7] =	ssyncset.done $0x0  }
0x30: {  	[sflag:s7] =	ssyncadd.s32 $0xFFFFD800  }
0x31: {  	_ =	sfence.sel $0x180000  }
0x32: {  	[bflag:$0x0] =	sbarrier.arrive $0xFFFF  }
0x33: {  	p0 =	sne.s32 s0, $0x0;
	_ =	strace $0x90000047  }
0x34: {  	s0 =	sadd.s32 @!p0 $0x100000, s1;
	[bflag:$0x2] =	sbarrier.arrive $0xFFFF  }
0x35: {  	[sflag:s0] =	ssyncadd.tile.s32 @!p0 $0x1;
	_ =	shalt  }
.Lfunc_end2:
_tile_overlayer_lowered:
.L_overlay_start_2:
0x36: {  	(tag) =	ssettag $0x2  }
0x37: {  	s0 =	rddreg [dreg:$0x0];
	s2 =	stileid.u32  }
0x38: {  	s1 =	rddreg [dreg:$0x1];
	p0 =	sne.s32 s2, $0x0  }
0x39: {  	s3 =	rddreg [dreg:$0x2];
	[bflag:$0x3] =	sbarrier.arrive $0xFFFF;
	s2 =	simm.s32 @!p0 $0x1C01  }
0x3a: {  	[timem:s3], [sflag:s2] =	dma.local @!p0 [hbm:s0], s1  }
0x3b: {  	s0 =	simm.s32 @!p0 $0x1  }
0x3c: {  	_ =	swait.ge @!p0 [sflag:s0], s1  }
0x3d: {  	s1 =	ssub.s32 @!p0 $0x0, s1;
	[sflag:s0] =	ssyncset.done @!p0 $0x0  }
0x3e: {  	[sflag:s0] =	ssyncadd.s32 @!p0 s1  }
0x3f: {  	[bflag:$0x3] =	sbarrier.arrive $0xFFFF  }
0x40: {  	_ =	shalt  }

</sc_bundles>
